<compile_context>
chip_gen: v7x
topology: tpu7x:2x2x1
jax: 0.10.2.dev20260603
libtpu: 0.0.44.dev20260713+nightly
codegen_flags: <defaults>
</compile_context>

<pallas_src>
import jax
import jax.numpy as jnp
from jax import lax
from jax.experimental import pallas as pl
from jax.experimental.pallas import tpu as pltpu
from jax.experimental.pallas import tpu_sc as plsc

B, L, D = 16384, 50, 64
N = B * L
NC, NS = 2, 16
NW = NC * NS
PER_W = N // NW
CH = 128
S = PER_W // CH
IB = 20
NBLK = S // IB
NJ = B // CH


def _body(it_t, br_t, ma_t, au_t, ii, bi, mi, ai, out,
          ib_ref, r00, r01, r02, r03, r10, r11, r12, r13, tb0, tb1,
          semI, semG0, semG1, semW0, semW1):
    wid = lax.axis_index("s") * NC + lax.axis_index("c")
    row0 = wid * S

    idx_hbms = (ii, bi, mi, ai)
    tabs = (it_t, br_t, ma_t, au_t)
    set0 = (r00, r01, r02, r03)
    set1 = (r10, r11, r12, r13)

    for t in range(4):
        pltpu.sync_copy(idx_hbms[t].at[pl.ds(row0, IB)],
                        ib_ref.at[t, pl.ds(0, IB)])
    for t in range(4):
        pltpu.async_copy(idx_hbms[t].at[pl.ds(row0 + IB, IB)],
                         ib_ref.at[t, pl.ds(IB, IB)], semI)
    for t in range(4):
        pltpu.async_copy(tabs[t].at[ib_ref.at[t, 0]], set0[t], semG0)

    iotav = lax.iota(jnp.int32, 16)
    row_idx = [iotav + g * 16 for g in range(8)]

    def accumulate(rset, tb):
        def dbody(d, c_):
            i = d // 8
            r = d - i * 8
            col_idx = jnp.full((16,), d, jnp.int32)
            for g in range(8):
                v0 = plsc.load_gather(rset[0], [row_idx[g], col_idx])
                v1 = plsc.load_gather(rset[1], [row_idx[g], col_idx])
                v2 = plsc.load_gather(rset[2], [row_idx[g], col_idx])
                v3 = plsc.load_gather(rset[3], [row_idx[g], col_idx])
                tb[i, r, pl.ds(g * 16, 16)] = (v0 + v1) + (v2 + v3)
            return c_
        lax.fori_loop(0, D, dbody, 0)

    def wb_dst(s):
        m = wid * S + s
        l = m // NJ
        j = m - l * NJ
        return out.at[l, :, j]

    def dstep(g, carry):
        s0 = 2 * g
        blk = s0 // IB
        off = s0 - blk * IB
        slot = (blk % 2) * IB
        r_s1 = slot + off + 1
        blk2 = (s0 + 2) // IB
        r_s2 = ((blk2 % 2) * IB) + (s0 + 2 - blk2 * IB)

        for t in range(4):
            pltpu.async_copy(tabs[t].at[ib_ref.at[t, r_s1]], set1[t], semG1)

        @pl.when(jnp.logical_and(off == IB - 2, s0 + 2 < S))
        def _():
            for t in range(4):
                pltpu.make_async_copy(idx_hbms[t].at[pl.ds(row0, IB)],
                                      ib_ref.at[t, pl.ds(0, IB)], semI).wait()

        @pl.when(jnp.logical_and(off == 0,
                                 jnp.logical_and(s0 >= IB,
                                                 s0 < (NBLK - 1) * IB)))
        def _():
            nslot = ((blk + 1) % 2) * IB
            for t in range(4):
                pltpu.async_copy(
                    idx_hbms[t].at[pl.ds(row0 + (blk + 1) * IB, IB)],
                    ib_ref.at[t, pl.ds(nslot, IB)], semI)

        for t in range(4):
            pltpu.make_async_copy(it_t.at[pl.ds(0, CH)], set0[t], semG0).wait()

        @pl.when(g > 0)
        def _():
            pltpu.make_async_copy(tb0, wb_dst(s0), semW0).wait()

        accumulate(set0, tb0)
        pltpu.async_copy(tb0, wb_dst(s0), semW0)

        @pl.when(s0 + 2 < S)
        def _():
            for t in range(4):
                pltpu.async_copy(tabs[t].at[ib_ref.at[t, r_s2]], set0[t],
                                 semG0)

        for t in range(4):
            pltpu.make_async_copy(it_t.at[pl.ds(0, CH)], set1[t], semG1).wait()

        @pl.when(g > 0)
        def _():
            pltpu.make_async_copy(tb1, wb_dst(s0 + 1), semW1).wait()

        accumulate(set1, tb1)
        pltpu.async_copy(tb1, wb_dst(s0 + 1), semW1)
        return carry

    lax.fori_loop(0, S // 2, dstep, 0)

    pltpu.make_async_copy(tb0, wb_dst(S - 2), semW0).wait()
    pltpu.make_async_copy(tb1, wb_dst(S - 1), semW1).wait()


@jax.jit
def _run(item_id, brand, material, author, it_t, br_t, ma_t, au_t):
    mesh = plsc.VectorSubcoreMesh(core_axis_name="c", subcore_axis_name="s")
    k = pl.kernel(
        _body,
        mesh=mesh,
        out_type=jax.ShapeDtypeStruct((L, D // 8, NJ, 8, CH), jnp.float32),
        compiler_params=pltpu.CompilerParams(use_tc_tiling_on_sc=False,
                                             needs_layout_passes=False),
        scratch_types=[
            pltpu.VMEM((4, 2 * IB, CH), jnp.int32),
            pltpu.VMEM((CH, D), jnp.float32),
            pltpu.VMEM((CH, D), jnp.float32),
            pltpu.VMEM((CH, D), jnp.float32),
            pltpu.VMEM((CH, D), jnp.float32),
            pltpu.VMEM((CH, D), jnp.float32),
            pltpu.VMEM((CH, D), jnp.float32),
            pltpu.VMEM((CH, D), jnp.float32),
            pltpu.VMEM((CH, D), jnp.float32),
            pltpu.VMEM((D // 8, 8, CH), jnp.float32),
            pltpu.VMEM((D // 8, 8, CH), jnp.float32),
            pltpu.SemaphoreType.DMA,
            pltpu.SemaphoreType.DMA,
            pltpu.SemaphoreType.DMA,
            pltpu.SemaphoreType.DMA,
            pltpu.SemaphoreType.DMA,
        ],
    )
    r = k(it_t, br_t, ma_t, au_t,
          item_id.T.reshape(N // CH, CH), brand.T.reshape(N // CH, CH),
          material.T.reshape(N // CH, CH), author.T.reshape(N // CH, CH))
    return r.transpose(2, 4, 0, 1, 3).reshape(B, L, D)


def kernel(item_id, brand, material, author, item_table, brand_table,
           material_table, author_table):
    return _run(item_id, brand, material, author,
                item_table, brand_table, material_table, author_table)

# --- scband reference (transcript-rebuilt; emitter-appended) ---
"""Pipeline reference for scband-narmfeat-item-encoder-24395414242003 (READ-ONLY COPY).

The authoritative reference and input builder live on the scoring server;
editing this copy changes nothing except your own understanding.
"""

import jax, jax.numpy as jnp
import numpy as np

B, L, D = 16384, 50, 64
NUM_ITEMS = 1000000
NUM_BRAND = 100000
NUM_MATERIAL = 100000
NUM_AUTHOR = 100000


def setup_inputs(seed: int = 0) -> dict:
    key = jax.random.key(seed)
    ks = jax.random.split(key, 8)
    item_id = jax.random.randint(ks[0], (B, L), 0, NUM_ITEMS, dtype=jnp.int32)
    brand = jax.random.randint(ks[1], (B, L), 0, NUM_BRAND, dtype=jnp.int32)
    material = jax.random.randint(ks[2], (B, L), 0, NUM_MATERIAL, dtype=jnp.int32)
    author = jax.random.randint(ks[3], (B, L), 0, NUM_AUTHOR, dtype=jnp.int32)
    item_table = (jax.random.normal(ks[4], (NUM_ITEMS, D), dtype=jnp.float32) * 0.02).at[0].set(0.0)
    brand_table = (jax.random.normal(ks[5], (NUM_BRAND, D), dtype=jnp.float32) * 0.02).at[0].set(0.0)
    material_table = (jax.random.normal(ks[6], (NUM_MATERIAL, D), dtype=jnp.float32) * 0.02).at[0].set(0.0)
    author_table = (jax.random.normal(ks[7], (NUM_AUTHOR, D), dtype=jnp.float32) * 0.02).at[0].set(0.0)
    return {
        'item_id': item_id,
        'brand': brand,
        'material': material,
        'author': author,
        'item_table': item_table,
        'brand_table': brand_table,
        'material_table': material_table,
        'author_table': author_table,
    }


def reference(item_id, brand, material, author, item_table, brand_table, material_table, author_table):
    # get_cat_emb (is_target=True path; no price, no color, no text):
    brand_emb = jnp.take(brand_table, brand, axis=0)
    material_emb = jnp.take(material_table, material, axis=0)
    author_emb = jnp.take(author_table, author, axis=0)
    feature_emb = brand_emb + material_emb + author_emb
    # item id embedding
    item_id_emb = jnp.take(item_table, item_id, axis=0)
    # feat_id_concat=False, use_text_feat=False -> sum
    return feature_emb + item_id_emb

if __name__ == "__main__":
    import jax
    _d = setup_inputs()
    print(jax.jit(kernel)(*tuple(_d.values())))

</pallas_src>

<mosaic_0001>
#map = affine_map<(d0, d1) -> (0, 0)>
#map1 = affine_map<(d0, d1) -> (0, 0, 0, 0, 0)>
module attributes {stable_mosaic.version = 14 : i64} {
  func.func @_body(%arg0: i32, %arg1: i32, %arg2: memref<1000000x64xf32, #tpu.memory_space<hbm>>, %arg3: memref<100000x64xf32, #tpu.memory_space<hbm>>, %arg4: memref<100000x64xf32, #tpu.memory_space<hbm>>, %arg5: memref<100000x64xf32, #tpu.memory_space<hbm>>, %arg6: memref<6400x128xi32, #tpu.memory_space<hbm>>, %arg7: memref<6400x128xi32, #tpu.memory_space<hbm>>, %arg8: memref<6400x128xi32, #tpu.memory_space<hbm>>, %arg9: memref<6400x128xi32, #tpu.memory_space<hbm>>, %arg10: memref<50x8x128x8x128xf32, #tpu.memory_space<hbm>>, %arg11: memref<4x40x128xi32, #tpu.memory_space<vmem>>, %arg12: memref<128x64xf32, #tpu.memory_space<vmem>>, %arg13: memref<128x64xf32, #tpu.memory_space<vmem>>, %arg14: memref<128x64xf32, #tpu.memory_space<vmem>>, %arg15: memref<128x64xf32, #tpu.memory_space<vmem>>, %arg16: memref<128x64xf32, #tpu.memory_space<vmem>>, %arg17: memref<128x64xf32, #tpu.memory_space<vmem>>, %arg18: memref<128x64xf32, #tpu.memory_space<vmem>>, %arg19: memref<128x64xf32, #tpu.memory_space<vmem>>, %arg20: memref<8x8x128xf32, #tpu.memory_space<vmem>>, %arg21: memref<8x8x128xf32, #tpu.memory_space<vmem>>, %arg22: memref<!tpu.dma_semaphore, #tpu.memory_space<semaphore_mem>>, %arg23: memref<!tpu.dma_semaphore, #tpu.memory_space<semaphore_mem>>, %arg24: memref<!tpu.dma_semaphore, #tpu.memory_space<semaphore_mem>>, %arg25: memref<!tpu.dma_semaphore, #tpu.memory_space<semaphore_mem>>, %arg26: memref<!tpu.dma_semaphore, #tpu.memory_space<semaphore_mem>>) attributes {dimension_semantics = [#tpu.dimension_semantics<core_parallel>, #tpu.dimension_semantics<subcore_parallel>], iteration_bounds = array<i64: 2, 16>, scalar_prefetch = 0 : i64, scratch_operands = 16 : i64, tpu.core_type = #tpu.core_type<sc_vector_subcore>, window_params = [{transform_indices = #map}, {transform_indices = #map}, {transform_indices = #map}, {transform_indices = #map}, {transform_indices = #map}, {transform_indices = #map}, {transform_indices = #map}, {transform_indices = #map}, {transform_indices = #map1}]} {
    %mul3A = arith.constant 2 : i32
    %mul3A_0 = arith.muli %arg1, %mul3A : i32
    %add3A = arith.addi %mul3A_0, %arg0 : i32
    %mul3A_1 = arith.constant 200 : i32
    %mul3A_2 = arith.muli %add3A, %mul3A_1 : i32
    %run_scoped3A = arith.constant 0 : i32
    "tpu.region"() ({
      %run_scoped3A_199 = tpu.sem_alloc : memref<!tpu.dma_semaphore, #tpu.memory_space<semaphore_mem>>
      %dma_start3A_200 = arith.constant 0 : i32
      %dma_start3A_201 = arith.constant 0 : i32
      %dma_start3A_202 = tpu.memref_slice %arg11[%run_scoped3A, %dma_start3A_200, %dma_start3A_201] : memref<4x40x128xi32, #tpu.memory_space<vmem>> -> memref<1x20x128xi32, #tpu.memory_space<vmem>>
      %dma_start3A_203 = tpu.memref_squeeze %dma_start3A_202 : memref<1x20x128xi32, #tpu.memory_space<vmem>> -> memref<20x128xi32, #tpu.memory_space<vmem>>
      %dma_start3A_204 = arith.constant 0 : i32
      %dma_start3A_205 = tpu.memref_slice %arg6[%mul3A_2, %dma_start3A_204] : memref<6400x128xi32, #tpu.memory_space<hbm>> -> memref<20x128xi32, #tpu.memory_space<hbm>>
      %dma_start3A_206 = arith.constant 0 : i32
      %dma_start3A_207 = arith.constant 0 : i32
      %dma_start3A_208 = tpu.memref_slice %arg11[%run_scoped3A, %dma_start3A_206, %dma_start3A_207] : memref<4x40x128xi32, #tpu.memory_space<vmem>> -> memref<1x20x128xi32, #tpu.memory_space<vmem>>
      %dma_start3A_209 = tpu.memref_squeeze %dma_start3A_208 : memref<1x20x128xi32, #tpu.memory_space<vmem>> -> memref<20x128xi32, #tpu.memory_space<vmem>>
      %dma_start3A_210 = arith.constant 0 : i32
      %dma_start3A_211 = tpu.memref_slice %arg6[%mul3A_2, %dma_start3A_210] : memref<6400x128xi32, #tpu.memory_space<hbm>> -> memref<20x128xi32, #tpu.memory_space<hbm>>
      tpu.enqueue_dma source(%dma_start3A_211 : memref<20x128xi32, #tpu.memory_space<hbm>>) target(%dma_start3A_209 : memref<20x128xi32, #tpu.memory_space<vmem>>) target_semaphore(%run_scoped3A_199 : memref<!tpu.dma_semaphore, #tpu.memory_space<semaphore_mem>>)
      %dma_wait3A_212 = arith.constant 0 : i32
      %dma_wait3A_213 = arith.constant 0 : i32
      %dma_wait3A_214 = tpu.memref_slice %arg11[%run_scoped3A, %dma_wait3A_212, %dma_wait3A_213] : memref<4x40x128xi32, #tpu.memory_space<vmem>> -> memref<1x20x128xi32, #tpu.memory_space<vmem>>
      %dma_wait3A_215 = tpu.memref_squeeze %dma_wait3A_214 : memref<1x20x128xi32, #tpu.memory_space<vmem>> -> memref<20x128xi32, #tpu.memory_space<vmem>>
      %dma_wait3A_216 = arith.constant 0 : i32
      %dma_wait3A_217 = tpu.memref_slice %arg6[%mul3A_2, %dma_wait3A_216] : memref<6400x128xi32, #tpu.memory_space<hbm>> -> memref<20x128xi32, #tpu.memory_space<hbm>>
      %dma_wait3A_218 = arith.constant 0 : i32
      %dma_wait3A_219 = arith.constant 0 : i32
      %dma_wait3A_220 = tpu.memref_slice %arg11[%run_scoped3A, %dma_wait3A_218, %dma_wait3A_219] : memref<4x40x128xi32, #tpu.memory_space<vmem>> -> memref<1x20x128xi32, #tpu.memory_space<vmem>>
      %dma_wait3A_221 = tpu.memref_squeeze %dma_wait3A_220 : memref<1x20x128xi32, #tpu.memory_space<vmem>> -> memref<20x128xi32, #tpu.memory_space<vmem>>
      %dma_wait3A_222 = arith.constant 0 : i32
      %dma_wait3A_223 = tpu.memref_slice %arg6[%mul3A_2, %dma_wait3A_222] : memref<6400x128xi32, #tpu.memory_space<hbm>> -> memref<20x128xi32, #tpu.memory_space<hbm>>
      tpu.wait_dma2 semaphore(%run_scoped3A_199 : memref<!tpu.dma_semaphore, #tpu.memory_space<semaphore_mem>>) src(%dma_wait3A_223 : memref<20x128xi32, #tpu.memory_space<hbm>>) dst(%dma_wait3A_221 : memref<20x128xi32, #tpu.memory_space<vmem>>)
      tpu.yield
    }) : () -> ()
    %run_scoped3A_3 = arith.constant 1 : i32
    "tpu.region"() ({
      %run_scoped3A_199 = tpu.sem_alloc : memref<!tpu.dma_semaphore, #tpu.memory_space<semaphore_mem>>
      %dma_start3A_200 = arith.constant 0 : i32
      %dma_start3A_201 = arith.constant 0 : i32
      %dma_start3A_202 = tpu.memref_slice %arg11[%run_scoped3A_3, %dma_start3A_200, %dma_start3A_201] : memref<4x40x128xi32, #tpu.memory_space<vmem>> -> memref<1x20x128xi32, #tpu.memory_space<vmem>>
      %dma_start3A_203 = tpu.memref_squeeze %dma_start3A_202 : memref<1x20x128xi32, #tpu.memory_space<vmem>> -> memref<20x128xi32, #tpu.memory_space<vmem>>
      %dma_start3A_204 = arith.constant 0 : i32
      %dma_start3A_205 = tpu.memref_slice %arg7[%mul3A_2, %dma_start3A_204] : memref<6400x128xi32, #tpu.memory_space<hbm>> -> memref<20x128xi32, #tpu.memory_space<hbm>>
      %dma_start3A_206 = arith.constant 0 : i32
      %dma_start3A_207 = arith.constant 0 : i32
      %dma_start3A_208 = tpu.memref_slice %arg11[%run_scoped3A_3, %dma_start3A_206, %dma_start3A_207] : memref<4x40x128xi32, #tpu.memory_space<vmem>> -> memref<1x20x128xi32, #tpu.memory_space<vmem>>
      %dma_start3A_209 = tpu.memref_squeeze %dma_start3A_208 : memref<1x20x128xi32, #tpu.memory_space<vmem>> -> memref<20x128xi32, #tpu.memory_space<vmem>>
      %dma_start3A_210 = arith.constant 0 : i32
      %dma_start3A_211 = tpu.memref_slice %arg7[%mul3A_2, %dma_start3A_210] : memref<6400x128xi32, #tpu.memory_space<hbm>> -> memref<20x128xi32, #tpu.memory_space<hbm>>
      tpu.enqueue_dma source(%dma_start3A_211 : memref<20x128xi32, #tpu.memory_space<hbm>>) target(%dma_start3A_209 : memref<20x128xi32, #tpu.memory_space<vmem>>) target_semaphore(%run_scoped3A_199 : memref<!tpu.dma_semaphore, #tpu.memory_space<semaphore_mem>>)
      %dma_wait3A_212 = arith.constant 0 : i32
      %dma_wait3A_213 = arith.constant 0 : i32
      %dma_wait3A_214 = tpu.memref_slice %arg11[%run_scoped3A_3, %dma_wait3A_212, %dma_wait3A_213] : memref<4x40x128xi32, #tpu.memory_space<vmem>> -> memref<1x20x128xi32, #tpu.memory_space<vmem>>
      %dma_wait3A_215 = tpu.memref_squeeze %dma_wait3A_214 : memref<1x20x128xi32, #tpu.memory_space<vmem>> -> memref<20x128xi32, #tpu.memory_space<vmem>>
      %dma_wait3A_216 = arith.constant 0 : i32
      %dma_wait3A_217 = tpu.memref_slice %arg7[%mul3A_2, %dma_wait3A_216] : memref<6400x128xi32, #tpu.memory_space<hbm>> -> memref<20x128xi32, #tpu.memory_space<hbm>>
      %dma_wait3A_218 = arith.constant 0 : i32
      %dma_wait3A_219 = arith.constant 0 : i32
      %dma_wait3A_220 = tpu.memref_slice %arg11[%run_scoped3A_3, %dma_wait3A_218, %dma_wait3A_219] : memref<4x40x128xi32, #tpu.memory_space<vmem>> -> memref<1x20x128xi32, #tpu.memory_space<vmem>>
      %dma_wait3A_221 = tpu.memref_squeeze %dma_wait3A_220 : memref<1x20x128xi32, #tpu.memory_space<vmem>> -> memref<20x128xi32, #tpu.memory_space<vmem>>
      %dma_wait3A_222 = arith.constant 0 : i32
      %dma_wait3A_223 = tpu.memref_slice %arg7[%mul3A_2, %dma_wait3A_222] : memref<6400x128xi32, #tpu.memory_space<hbm>> -> memref<20x128xi32, #tpu.memory_space<hbm>>
      tpu.wait_dma2 semaphore(%run_scoped3A_199 : memref<!tpu.dma_semaphore, #tpu.memory_space<semaphore_mem>>) src(%dma_wait3A_223 : memref<20x128xi32, #tpu.memory_space<hbm>>) dst(%dma_wait3A_221 : memref<20x128xi32, #tpu.memory_space<vmem>>)
      tpu.yield
    }) : () -> ()
    %run_scoped3A_4 = arith.constant 2 : i32
    "tpu.region"() ({
      %run_scoped3A_199 = tpu.sem_alloc : memref<!tpu.dma_semaphore, #tpu.memory_space<semaphore_mem>>
      %dma_start3A_200 = arith.constant 0 : i32
      %dma_start3A_201 = arith.constant 0 : i32
      %dma_start3A_202 = tpu.memref_slice %arg11[%run_scoped3A_4, %dma_start3A_200, %dma_start3A_201] : memref<4x40x128xi32, #tpu.memory_space<vmem>> -> memref<1x20x128xi32, #tpu.memory_space<vmem>>
      %dma_start3A_203 = tpu.memref_squeeze %dma_start3A_202 : memref<1x20x128xi32, #tpu.memory_space<vmem>> -> memref<20x128xi32, #tpu.memory_space<vmem>>
      %dma_start3A_204 = arith.constant 0 : i32
      %dma_start3A_205 = tpu.memref_slice %arg8[%mul3A_2, %dma_start3A_204] : memref<6400x128xi32, #tpu.memory_space<hbm>> -> memref<20x128xi32, #tpu.memory_space<hbm>>
      %dma_start3A_206 = arith.constant 0 : i32
      %dma_start3A_207 = arith.constant 0 : i32
      %dma_start3A_208 = tpu.memref_slice %arg11[%run_scoped3A_4, %dma_start3A_206, %dma_start3A_207] : memref<4x40x128xi32, #tpu.memory_space<vmem>> -> memref<1x20x128xi32, #tpu.memory_space<vmem>>
      %dma_start3A_209 = tpu.memref_squeeze %dma_start3A_208 : memref<1x20x128xi32, #tpu.memory_space<vmem>> -> memref<20x128xi32, #tpu.memory_space<vmem>>
      %dma_start3A_210 = arith.constant 0 : i32
      %dma_start3A_211 = tpu.memref_slice %arg8[%mul3A_2, %dma_start3A_210] : memref<6400x128xi32, #tpu.memory_space<hbm>> -> memref<20x128xi32, #tpu.memory_space<hbm>>
      tpu.enqueue_dma source(%dma_start3A_211 : memref<20x128xi32, #tpu.memory_space<hbm>>) target(%dma_start3A_209 : memref<20x128xi32, #tpu.memory_space<vmem>>) target_semaphore(%run_scoped3A_199 : memref<!tpu.dma_semaphore, #tpu.memory_space<semaphore_mem>>)
      %dma_wait3A_212 = arith.constant 0 : i32
      %dma_wait3A_213 = arith.constant 0 : i32
      %dma_wait3A_214 = tpu.memref_slice %arg11[%run_scoped3A_4, %dma_wait3A_212, %dma_wait3A_213] : memref<4x40x128xi32, #tpu.memory_space<vmem>> -> memref<1x20x128xi32, #tpu.memory_space<vmem>>
      %dma_wait3A_215 = tpu.memref_squeeze %dma_wait3A_214 : memref<1x20x128xi32, #tpu.memory_space<vmem>> -> memref<20x128xi32, #tpu.memory_space<vmem>>
      %dma_wait3A_216 = arith.constant 0 : i32
      %dma_wait3A_217 = tpu.memref_slice %arg8[%mul3A_2, %dma_wait3A_216] : memref<6400x128xi32, #tpu.memory_space<hbm>> -> memref<20x128xi32, #tpu.memory_space<hbm>>
      %dma_wait3A_218 = arith.constant 0 : i32
      %dma_wait3A_219 = arith.constant 0 : i32
      %dma_wait3A_220 = tpu.memref_slice %arg11[%run_scoped3A_4, %dma_wait3A_218, %dma_wait3A_219] : memref<4x40x128xi32, #tpu.memory_space<vmem>> -> memref<1x20x128xi32, #tpu.memory_space<vmem>>
      %dma_wait3A_221 = tpu.memref_squeeze %dma_wait3A_220 : memref<1x20x128xi32, #tpu.memory_space<vmem>> -> memref<20x128xi32, #tpu.memory_space<vmem>>
      %dma_wait3A_222 = arith.constant 0 : i32
      %dma_wait3A_223 = tpu.memref_slice %arg8[%mul3A_2, %dma_wait3A_222] : memref<6400x128xi32, #tpu.memory_space<hbm>> -> memref<20x128xi32, #tpu.memory_space<hbm>>
      tpu.wait_dma2 semaphore(%run_scoped3A_199 : memref<!tpu.dma_semaphore, #tpu.memory_space<semaphore_mem>>) src(%dma_wait3A_223 : memref<20x128xi32, #tpu.memory_space<hbm>>) dst(%dma_wait3A_221 : memref<20x128xi32, #tpu.memory_space<vmem>>)
      tpu.yield
    }) : () -> ()
    %run_scoped3A_5 = arith.constant 3 : i32
    "tpu.region"() ({
      %run_scoped3A_199 = tpu.sem_alloc : memref<!tpu.dma_semaphore, #tpu.memory_space<semaphore_mem>>
      %dma_start3A_200 = arith.constant 0 : i32
      %dma_start3A_201 = arith.constant 0 : i32
      %dma_start3A_202 = tpu.memref_slice %arg11[%run_scoped3A_5, %dma_start3A_200, %dma_start3A_201] : memref<4x40x128xi32, #tpu.memory_space<vmem>> -> memref<1x20x128xi32, #tpu.memory_space<vmem>>
      %dma_start3A_203 = tpu.memref_squeeze %dma_start3A_202 : memref<1x20x128xi32, #tpu.memory_space<vmem>> -> memref<20x128xi32, #tpu.memory_space<vmem>>
      %dma_start3A_204 = arith.constant 0 : i32
      %dma_start3A_205 = tpu.memref_slice %arg9[%mul3A_2, %dma_start3A_204] : memref<6400x128xi32, #tpu.memory_space<hbm>> -> memref<20x128xi32, #tpu.memory_space<hbm>>
      %dma_start3A_206 = arith.constant 0 : i32
      %dma_start3A_207 = arith.constant 0 : i32
      %dma_start3A_208 = tpu.memref_slice %arg11[%run_scoped3A_5, %dma_start3A_206, %dma_start3A_207] : memref<4x40x128xi32, #tpu.memory_space<vmem>> -> memref<1x20x128xi32, #tpu.memory_space<vmem>>
      %dma_start3A_209 = tpu.memref_squeeze %dma_start3A_208 : memref<1x20x128xi32, #tpu.memory_space<vmem>> -> memref<20x128xi32, #tpu.memory_space<vmem>>
      %dma_start3A_210 = arith.constant 0 : i32
      %dma_start3A_211 = tpu.memref_slice %arg9[%mul3A_2, %dma_start3A_210] : memref<6400x128xi32, #tpu.memory_space<hbm>> -> memref<20x128xi32, #tpu.memory_space<hbm>>
      tpu.enqueue_dma source(%dma_start3A_211 : memref<20x128xi32, #tpu.memory_space<hbm>>) target(%dma_start3A_209 : memref<20x128xi32, #tpu.memory_space<vmem>>) target_semaphore(%run_scoped3A_199 : memref<!tpu.dma_semaphore, #tpu.memory_space<semaphore_mem>>)
      %dma_wait3A_212 = arith.constant 0 : i32
      %dma_wait3A_213 = arith.constant 0 : i32
      %dma_wait3A_214 = tpu.memref_slice %arg11[%run_scoped3A_5, %dma_wait3A_212, %dma_wait3A_213] : memref<4x40x128xi32, #tpu.memory_space<vmem>> -> memref<1x20x128xi32, #tpu.memory_space<vmem>>
      %dma_wait3A_215 = tpu.memref_squeeze %dma_wait3A_214 : memref<1x20x128xi32, #tpu.memory_space<vmem>> -> memref<20x128xi32, #tpu.memory_space<vmem>>
      %dma_wait3A_216 = arith.constant 0 : i32
      %dma_wait3A_217 = tpu.memref_slice %arg9[%mul3A_2, %dma_wait3A_216] : memref<6400x128xi32, #tpu.memory_space<hbm>> -> memref<20x128xi32, #tpu.memory_space<hbm>>
      %dma_wait3A_218 = arith.constant 0 : i32
      %dma_wait3A_219 = arith.constant 0 : i32
      %dma_wait3A_220 = tpu.memref_slice %arg11[%run_scoped3A_5, %dma_wait3A_218, %dma_wait3A_219] : memref<4x40x128xi32, #tpu.memory_space<vmem>> -> memref<1x20x128xi32, #tpu.memory_space<vmem>>
      %dma_wait3A_221 = tpu.memref_squeeze %dma_wait3A_220 : memref<1x20x128xi32, #tpu.memory_space<vmem>> -> memref<20x128xi32, #tpu.memory_space<vmem>>
      %dma_wait3A_222 = arith.constant 0 : i32
      %dma_wait3A_223 = tpu.memref_slice %arg9[%mul3A_2, %dma_wait3A_222] : memref<6400x128xi32, #tpu.memory_space<hbm>> -> memref<20x128xi32, #tpu.memory_space<hbm>>
      tpu.wait_dma2 semaphore(%run_scoped3A_199 : memref<!tpu.dma_semaphore, #tpu.memory_space<semaphore_mem>>) src(%dma_wait3A_223 : memref<20x128xi32, #tpu.memory_space<hbm>>) dst(%dma_wait3A_221 : memref<20x128xi32, #tpu.memory_space<vmem>>)
      tpu.yield
    }) : () -> ()
    %add3A_6 = arith.constant 20 : i32
    %add3A_7 = arith.addi %mul3A_2, %add3A_6 : i32
    %dma_start3A = arith.constant 0 : i32
    %dma_start3A_8 = arith.constant 20 : i32
    %dma_start3A_9 = arith.constant 0 : i32
    %dma_start3A_10 = tpu.memref_slice %arg11[%dma_start3A, %dma_start3A_8, %dma_start3A_9] : memref<4x40x128xi32, #tpu.memory_space<vmem>> -> memref<1x20x128xi32, #tpu.memory_space<vmem>>
    %dma_start3A_11 = tpu.memref_squeeze %dma_start3A_10 : memref<1x20x128xi32, #tpu.memory_space<vmem>> -> memref<20x128xi32, #tpu.memory_space<vmem>>
    %dma_start3A_12 = arith.constant 0 : i32
    %dma_start3A_13 = tpu.memref_slice %arg6[%add3A_7, %dma_start3A_12] : memref<6400x128xi32, #tpu.memory_space<hbm>> -> memref<20x128xi32, #tpu.memory_space<hbm>>
    %dma_start3A_14 = arith.constant 20 : i32
    %dma_start3A_15 = arith.constant 0 : i32
    %dma_start3A_16 = tpu.memref_slice %arg11[%dma_start3A, %dma_start3A_14, %dma_start3A_15] : memref<4x40x128xi32, #tpu.memory_space<vmem>> -> memref<1x20x128xi32, #tpu.memory_space<vmem>>
    %dma_start3A_17 = tpu.memref_squeeze %dma_start3A_16 : memref<1x20x128xi32, #tpu.memory_space<vmem>> -> memref<20x128xi32, #tpu.memory_space<vmem>>
    %dma_start3A_18 = arith.constant 0 : i32
    %dma_start3A_19 = tpu.memref_slice %arg6[%add3A_7, %dma_start3A_18] : memref<6400x128xi32, #tpu.memory_space<hbm>> -> memref<20x128xi32, #tpu.memory_space<hbm>>
    tpu.enqueue_dma source(%dma_start3A_19 : memref<20x128xi32, #tpu.memory_space<hbm>>) target(%dma_start3A_17 : memref<20x128xi32, #tpu.memory_space<vmem>>) target_semaphore(%arg22 : memref<!tpu.dma_semaphore, #tpu.memory_space<semaphore_mem>>)
    %add3A_20 = arith.constant 20 : i32
    %add3A_21 = arith.addi %mul3A_2, %add3A_20 : i32
    %dma_start3A_22 = arith.constant 1 : i32
    %dma_start3A_23 = arith.constant 20 : i32
    %dma_start3A_24 = arith.constant 0 : i32
    %dma_start3A_25 = tpu.memref_slice %arg11[%dma_start3A_22, %dma_start3A_23, %dma_start3A_24] : memref<4x40x128xi32, #tpu.memory_space<vmem>> -> memref<1x20x128xi32, #tpu.memory_space<vmem>>
    %dma_start3A_26 = tpu.memref_squeeze %dma_start3A_25 : memref<1x20x128xi32, #tpu.memory_space<vmem>> -> memref<20x128xi32, #tpu.memory_space<vmem>>
    %dma_start3A_27 = arith.constant 0 : i32
    %dma_start3A_28 = tpu.memref_slice %arg7[%add3A_21, %dma_start3A_27] : memref<6400x128xi32, #tpu.memory_space<hbm>> -> memref<20x128xi32, #tpu.memory_space<hbm>>
    %dma_start3A_29 = arith.constant 20 : i32
    %dma_start3A_30 = arith.constant 0 : i32
    %dma_start3A_31 = tpu.memref_slice %arg11[%dma_start3A_22, %dma_start3A_29, %dma_start3A_30] : memref<4x40x128xi32, #tpu.memory_space<vmem>> -> memref<1x20x128xi32, #tpu.memory_space<vmem>>
    %dma_start3A_32 = tpu.memref_squeeze %dma_start3A_31 : memref<1x20x128xi32, #tpu.memory_space<vmem>> -> memref<20x128xi32, #tpu.memory_space<vmem>>
    %dma_start3A_33 = arith.constant 0 : i32
    %dma_start3A_34 = tpu.memref_slice %arg7[%add3A_21, %dma_start3A_33] : memref<6400x128xi32, #tpu.memory_space<hbm>> -> memref<20x128xi32, #tpu.memory_space<hbm>>
    tpu.enqueue_dma source(%dma_start3A_34 : memref<20x128xi32, #tpu.memory_space<hbm>>) target(%dma_start3A_32 : memref<20x128xi32, #tpu.memory_space<vmem>>) target_semaphore(%arg22 : memref<!tpu.dma_semaphore, #tpu.memory_space<semaphore_mem>>)
    %add3A_35 = arith.constant 20 : i32
    %add3A_36 = arith.addi %mul3A_2, %add3A_35 : i32
    %dma_start3A_37 = arith.constant 2 : i32
    %dma_start3A_38 = arith.constant 20 : i32
    %dma_start3A_39 = arith.constant 0 : i32
    %dma_start3A_40 = tpu.memref_slice %arg11[%dma_start3A_37, %dma_start3A_38, %dma_start3A_39] : memref<4x40x128xi32, #tpu.memory_space<vmem>> -> memref<1x20x128xi32, #tpu.memory_space<vmem>>
    %dma_start3A_41 = tpu.memref_squeeze %dma_start3A_40 : memref<1x20x128xi32, #tpu.memory_space<vmem>> -> memref<20x128xi32, #tpu.memory_space<vmem>>
    %dma_start3A_42 = arith.constant 0 : i32
    %dma_start3A_43 = tpu.memref_slice %arg8[%add3A_36, %dma_start3A_42] : memref<6400x128xi32, #tpu.memory_space<hbm>> -> memref<20x128xi32, #tpu.memory_space<hbm>>
    %dma_start3A_44 = arith.constant 20 : i32
    %dma_start3A_45 = arith.constant 0 : i32
    %dma_start3A_46 = tpu.memref_slice %arg11[%dma_start3A_37, %dma_start3A_44, %dma_start3A_45] : memref<4x40x128xi32, #tpu.memory_space<vmem>> -> memref<1x20x128xi32, #tpu.memory_space<vmem>>
    %dma_start3A_47 = tpu.memref_squeeze %dma_start3A_46 : memref<1x20x128xi32, #tpu.memory_space<vmem>> -> memref<20x128xi32, #tpu.memory_space<vmem>>
    %dma_start3A_48 = arith.constant 0 : i32
    %dma_start3A_49 = tpu.memref_slice %arg8[%add3A_36, %dma_start3A_48] : memref<6400x128xi32, #tpu.memory_space<hbm>> -> memref<20x128xi32, #tpu.memory_space<hbm>>
    tpu.enqueue_dma source(%dma_start3A_49 : memref<20x128xi32, #tpu.memory_space<hbm>>) target(%dma_start3A_47 : memref<20x128xi32, #tpu.memory_space<vmem>>) target_semaphore(%arg22 : memref<!tpu.dma_semaphore, #tpu.memory_space<semaphore_mem>>)
    %add3A_50 = arith.constant 20 : i32
    %add3A_51 = arith.addi %mul3A_2, %add3A_50 : i32
    %dma_start3A_52 = arith.constant 3 : i32
    %dma_start3A_53 = arith.constant 20 : i32
    %dma_start3A_54 = arith.constant 0 : i32
    %dma_start3A_55 = tpu.memref_slice %arg11[%dma_start3A_52, %dma_start3A_53, %dma_start3A_54] : memref<4x40x128xi32, #tpu.memory_space<vmem>> -> memref<1x20x128xi32, #tpu.memory_space<vmem>>
    %dma_start3A_56 = tpu.memref_squeeze %dma_start3A_55 : memref<1x20x128xi32, #tpu.memory_space<vmem>> -> memref<20x128xi32, #tpu.memory_space<vmem>>
    %dma_start3A_57 = arith.constant 0 : i32
    %dma_start3A_58 = tpu.memref_slice %arg9[%add3A_51, %dma_start3A_57] : memref<6400x128xi32, #tpu.memory_space<hbm>> -> memref<20x128xi32, #tpu.memory_space<hbm>>
    %dma_start3A_59 = arith.constant 20 : i32
    %dma_start3A_60 = arith.constant 0 : i32
    %dma_start3A_61 = tpu.memref_slice %arg11[%dma_start3A_52, %dma_start3A_59, %dma_start3A_60] : memref<4x40x128xi32, #tpu.memory_space<vmem>> -> memref<1x20x128xi32, #tpu.memory_space<vmem>>
    %dma_start3A_62 = tpu.memref_squeeze %dma_start3A_61 : memref<1x20x128xi32, #tpu.memory_space<vmem>> -> memref<20x128xi32, #tpu.memory_space<vmem>>
    %dma_start3A_63 = arith.constant 0 : i32
    %dma_start3A_64 = tpu.memref_slice %arg9[%add3A_51, %dma_start3A_63] : memref<6400x128xi32, #tpu.memory_space<hbm>> -> memref<20x128xi32, #tpu.memory_space<hbm>>
    tpu.enqueue_dma source(%dma_start3A_64 : memref<20x128xi32, #tpu.memory_space<hbm>>) target(%dma_start3A_62 : memref<20x128xi32, #tpu.memory_space<vmem>>) target_semaphore(%arg22 : memref<!tpu.dma_semaphore, #tpu.memory_space<semaphore_mem>>)
    %dma_start3A_65 = arith.constant 0 : i32
    %dma_start3A_66 = arith.constant 0 : i32
    %dma_start3A_67 = arith.constant 0 : i32
    %dma_start3A_68 = tpu.memref_slice %arg11[%dma_start3A_65, %dma_start3A_66, %dma_start3A_67] : memref<4x40x128xi32, #tpu.memory_space<vmem>> -> memref<1x1x128xi32, #tpu.memory_space<vmem>>
    %dma_start3A_69 = tpu.memref_squeeze %dma_start3A_68 : memref<1x1x128xi32, #tpu.memory_space<vmem>> -> memref<128xi32, #tpu.memory_space<vmem>>
    %dma_start3A_70 = arith.constant 0 : i32
    %dma_start3A_71 = arith.constant 0 : i32
    %dma_start3A_72 = tpu.memref_slice %arg2[%dma_start3A_70, %dma_start3A_71] : memref<1000000x64xf32, #tpu.memory_space<hbm>> -> memref<1000000x64xf32, #tpu.memory_space<hbm>>
    tpu.enqueue_indirect_dma source(%dma_start3A_72 : memref<1000000x64xf32, #tpu.memory_space<hbm>>) target(%arg12 : memref<128x64xf32, #tpu.memory_space<vmem>>) offsets(%dma_start3A_69 : memref<128xi32, #tpu.memory_space<vmem>>) semaphore(%arg23 : memref<!tpu.dma_semaphore, #tpu.memory_space<semaphore_mem>>)
    %dma_start3A_73 = arith.constant 1 : i32
    %dma_start3A_74 = arith.constant 0 : i32
    %dma_start3A_75 = arith.constant 0 : i32
    %dma_start3A_76 = tpu.memref_slice %arg11[%dma_start3A_73, %dma_start3A_74, %dma_start3A_75] : memref<4x40x128xi32, #tpu.memory_space<vmem>> -> memref<1x1x128xi32, #tpu.memory_space<vmem>>
    %dma_start3A_77 = tpu.memref_squeeze %dma_start3A_76 : memref<1x1x128xi32, #tpu.memory_space<vmem>> -> memref<128xi32, #tpu.memory_space<vmem>>
    %dma_start3A_78 = arith.constant 0 : i32
    %dma_start3A_79 = arith.constant 0 : i32
    %dma_start3A_80 = tpu.memref_slice %arg3[%dma_start3A_78, %dma_start3A_79] : memref<100000x64xf32, #tpu.memory_space<hbm>> -> memref<100000x64xf32, #tpu.memory_space<hbm>>
    tpu.enqueue_indirect_dma source(%dma_start3A_80 : memref<100000x64xf32, #tpu.memory_space<hbm>>) target(%arg13 : memref<128x64xf32, #tpu.memory_space<vmem>>) offsets(%dma_start3A_77 : memref<128xi32, #tpu.memory_space<vmem>>) semaphore(%arg23 : memref<!tpu.dma_semaphore, #tpu.memory_space<semaphore_mem>>)
    %dma_start3A_81 = arith.constant 2 : i32
    %dma_start3A_82 = arith.constant 0 : i32
    %dma_start3A_83 = arith.constant 0 : i32
    %dma_start3A_84 = tpu.memref_slice %arg11[%dma_start3A_81, %dma_start3A_82, %dma_start3A_83] : memref<4x40x128xi32, #tpu.memory_space<vmem>> -> memref<1x1x128xi32, #tpu.memory_space<vmem>>
    %dma_start3A_85 = tpu.memref_squeeze %dma_start3A_84 : memref<1x1x128xi32, #tpu.memory_space<vmem>> -> memref<128xi32, #tpu.memory_space<vmem>>
    %dma_start3A_86 = arith.constant 0 : i32
    %dma_start3A_87 = arith.constant 0 : i32
    %dma_start3A_88 = tpu.memref_slice %arg4[%dma_start3A_86, %dma_start3A_87] : memref<100000x64xf32, #tpu.memory_space<hbm>> -> memref<100000x64xf32, #tpu.memory_space<hbm>>
    tpu.enqueue_indirect_dma source(%dma_start3A_88 : memref<100000x64xf32, #tpu.memory_space<hbm>>) target(%arg14 : memref<128x64xf32, #tpu.memory_space<vmem>>) offsets(%dma_start3A_85 : memref<128xi32, #tpu.memory_space<vmem>>) semaphore(%arg23 : memref<!tpu.dma_semaphore, #tpu.memory_space<semaphore_mem>>)
    %dma_start3A_89 = arith.constant 3 : i32
    %dma_start3A_90 = arith.constant 0 : i32
    %dma_start3A_91 = arith.constant 0 : i32
    %dma_start3A_92 = tpu.memref_slice %arg11[%dma_start3A_89, %dma_start3A_90, %dma_start3A_91] : memref<4x40x128xi32, #tpu.memory_space<vmem>> -> memref<1x1x128xi32, #tpu.memory_space<vmem>>
    %dma_start3A_93 = tpu.memref_squeeze %dma_start3A_92 : memref<1x1x128xi32, #tpu.memory_space<vmem>> -> memref<128xi32, #tpu.memory_space<vmem>>
    %dma_start3A_94 = arith.constant 0 : i32
    %dma_start3A_95 = arith.constant 0 : i32
    %dma_start3A_96 = tpu.memref_slice %arg5[%dma_start3A_94, %dma_start3A_95] : memref<100000x64xf32, #tpu.memory_space<hbm>> -> memref<100000x64xf32, #tpu.memory_space<hbm>>
    tpu.enqueue_indirect_dma source(%dma_start3A_96 : memref<100000x64xf32, #tpu.memory_space<hbm>>) target(%arg15 : memref<128x64xf32, #tpu.memory_space<vmem>>) offsets(%dma_start3A_93 : memref<128xi32, #tpu.memory_space<vmem>>) semaphore(%arg23 : memref<!tpu.dma_semaphore, #tpu.memory_space<semaphore_mem>>)
    %iota3A = tpu.iota {dimensions = array<i32: 0>} : vector<16xi32>
    %add3A_97 = arith.constant 0 : i32
    %add3A_98 = vector.broadcast %add3A_97 : i32 to vector<16xi32>
    %add3A_99 = arith.addi %iota3A, %add3A_98 : vector<16xi32>
    %add3A_100 = arith.constant 16 : i32
    %add3A_101 = vector.broadcast %add3A_100 : i32 to vector<16xi32>
    %add3A_102 = arith.addi %iota3A, %add3A_101 : vector<16xi32>
    %add3A_103 = arith.constant 32 : i32
    %add3A_104 = vector.broadcast %add3A_103 : i32 to vector<16xi32>
    %add3A_105 = arith.addi %iota3A, %add3A_104 : vector<16xi32>
    %add3A_106 = arith.constant 48 : i32
    %add3A_107 = vector.broadcast %add3A_106 : i32 to vector<16xi32>
    %add3A_108 = arith.addi %iota3A, %add3A_107 : vector<16xi32>
    %add3A_109 = arith.constant 64 : i32
    %add3A_110 = vector.broadcast %add3A_109 : i32 to vector<16xi32>
    %add3A_111 = arith.addi %iota3A, %add3A_110 : vector<16xi32>
    %add3A_112 = arith.constant 80 : i32
    %add3A_113 = vector.broadcast %add3A_112 : i32 to vector<16xi32>
    %add3A_114 = arith.addi %iota3A, %add3A_113 : vector<16xi32>
    %add3A_115 = arith.constant 96 : i32
    %add3A_116 = vector.broadcast %add3A_115 : i32 to vector<16xi32>
    %add3A_117 = arith.addi %iota3A, %add3A_116 : vector<16xi32>
    %add3A_118 = arith.constant 112 : i32
    %add3A_119 = vector.broadcast %add3A_118 : i32 to vector<16xi32>
    %add3A_120 = arith.addi %iota3A, %add3A_119 : vector<16xi32>
    %scan3A = arith.constant 0 : i32
    %scan3A_121 = arith.constant 0 : i32
    %scan3A_122 = arith.constant 100 : i32
    %scan3A_123 = arith.addi %scan3A_121, %scan3A_122 : i32
    %scan3A_124 = arith.constant 1 : i32
    scf.for %scan3A_199 = %scan3A_121 to %scan3A_123 step %scan3A_124  : i32 {
      %mul3A_200 = arith.constant 2 : i32
      %mul3A_201 = arith.muli %mul3A_200, %scan3A_199 : i32
      %jit3A_202 = arith.constant 20 : i32
      %div3A_203 = arith.divsi %mul3A_201, %jit3A_202 : i32
      %sign3A_204 = arith.constant 0 : i32
      %sign3A_205 = arith.cmpi sgt, %mul3A_201, %sign3A_204 : i32
      %sign3A_206 = arith.extui %sign3A_205 : i1 to i32
      %sign3A_207 = arith.constant 0 : i32
      %sign3A_208 = arith.cmpi slt, %mul3A_201, %sign3A_207 : i32
      %sign3A_209 = arith.extui %sign3A_208 : i1 to i32
      %sign3A_210 = arith.subi %sign3A_206, %sign3A_209 : i32
      %sign3A_211 = arith.constant 0 : i32
      %sign3A_212 = arith.cmpi sgt, %jit3A_202, %sign3A_211 : i32
      %sign3A_213 = arith.extui %sign3A_212 : i1 to i32
      %sign3A_214 = arith.constant 0 : i32
      %sign3A_215 = arith.cmpi slt, %jit3A_202, %sign3A_214 : i32
      %sign3A_216 = arith.extui %sign3A_215 : i1 to i32
      %sign3A_217 = arith.subi %sign3A_213, %sign3A_216 : i32
      %ne3A_218 = arith.cmpi ne, %sign3A_210, %sign3A_217 : i32
      %rem3A_219 = arith.remsi %mul3A_201, %jit3A_202 : i32
      %ne3A_220 = arith.constant 0 : i32
      %ne3A_221 = arith.cmpi ne, %rem3A_219, %ne3A_220 : i32
      %and3A_222 = arith.andi %ne3A_218, %ne3A_221 : i1
      %sub3A_223 = arith.constant 1 : i32
      %sub3A_224 = arith.subi %div3A_203, %sub3A_223 : i32
      %select_n3A_225 = arith.select %and3A_222, %sub3A_224, %div3A_203 : i32
      %mul3A_226 = arith.constant 20 : i32
      %mul3A_227 = arith.muli %select_n3A_225, %mul3A_226 : i32
      %sub3A_228 = arith.subi %mul3A_201, %mul3A_227 : i32
      %jit3A_229 = arith.constant 2 : i32
      %eq3A = arith.constant 0 : i32
      %eq3A_230 = arith.cmpi eq, %jit3A_229, %eq3A : i32
      %jit3A_231 = arith.constant 1 : i32
      %select_n3A_232 = arith.select %eq3A_230, %jit3A_231, %jit3A_229 : i32
      %rem3A_233 = arith.remsi %select_n3A_225, %select_n3A_232 : i32
      %ne3A_234 = arith.constant 0 : i32
      %ne3A_235 = arith.cmpi ne, %rem3A_233, %ne3A_234 : i32
      %lt3A = arith.constant 0 : i32
      %lt3A_236 = arith.cmpi slt, %rem3A_233, %lt3A : i32
      %lt3A_237 = arith.constant 0 : i32
      %lt3A_238 = arith.cmpi slt, %select_n3A_232, %lt3A_237 : i32
      %ne3A_239 = arith.xori %lt3A_236, %lt3A_238 : i1
      %and3A_240 = arith.andi %ne3A_239, %ne3A_235 : i1
      %add3A_241 = arith.addi %rem3A_233, %select_n3A_232 : i32
      %select_n3A_242 = arith.select %and3A_240, %add3A_241, %rem3A_233 : i32
      %mul3A_243 = arith.constant 20 : i32
      %mul3A_244 = arith.muli %select_n3A_242, %mul3A_243 : i32
      %add3A_245 = arith.addi %mul3A_244, %sub3A_228 : i32
      %add3A_246 = arith.constant 1 : i32
      %add3A_247 = arith.addi %add3A_245, %add3A_246 : i32
      %add3A_248 = arith.constant 2 : i32
      %add3A_249 = arith.addi %mul3A_201, %add3A_248 : i32
      %jit3A_250 = arith.constant 20 : i32
      %div3A_251 = arith.divsi %add3A_249, %jit3A_250 : i32
      %sign3A_252 = arith.constant 0 : i32
      %sign3A_253 = arith.cmpi sgt, %add3A_249, %sign3A_252 : i32
      %sign3A_254 = arith.extui %sign3A_253 : i1 to i32
      %sign3A_255 = arith.constant 0 : i32
      %sign3A_256 = arith.cmpi slt, %add3A_249, %sign3A_255 : i32
      %sign3A_257 = arith.extui %sign3A_256 : i1 to i32
      %sign3A_258 = arith.subi %sign3A_254, %sign3A_257 : i32
      %sign3A_259 = arith.constant 0 : i32
      %sign3A_260 = arith.cmpi sgt, %jit3A_250, %sign3A_259 : i32
      %sign3A_261 = arith.extui %sign3A_260 : i1 to i32
      %sign3A_262 = arith.constant 0 : i32
      %sign3A_263 = arith.cmpi slt, %jit3A_250, %sign3A_262 : i32
      %sign3A_264 = arith.extui %sign3A_263 : i1 to i32
      %sign3A_265 = arith.subi %sign3A_261, %sign3A_264 : i32
      %ne3A_266 = arith.cmpi ne, %sign3A_258, %sign3A_265 : i32
      %rem3A_267 = arith.remsi %add3A_249, %jit3A_250 : i32
      %ne3A_268 = arith.constant 0 : i32
      %ne3A_269 = arith.cmpi ne, %rem3A_267, %ne3A_268 : i32
      %and3A_270 = arith.andi %ne3A_266, %ne3A_269 : i1
      %sub3A_271 = arith.constant 1 : i32
      %sub3A_272 = arith.subi %div3A_251, %sub3A_271 : i32
      %select_n3A_273 = arith.select %and3A_270, %sub3A_272, %div3A_251 : i32
      %jit3A_274 = arith.constant 2 : i32
      %eq3A_275 = arith.constant 0 : i32
      %eq3A_276 = arith.cmpi eq, %jit3A_274, %eq3A_275 : i32
      %jit3A_277 = arith.constant 1 : i32
      %select_n3A_278 = arith.select %eq3A_276, %jit3A_277, %jit3A_274 : i32
      %rem3A_279 = arith.remsi %select_n3A_273, %select_n3A_278 : i32
      %ne3A_280 = arith.constant 0 : i32
      %ne3A_281 = arith.cmpi ne, %rem3A_279, %ne3A_280 : i32
      %lt3A_282 = arith.constant 0 : i32
      %lt3A_283 = arith.cmpi slt, %rem3A_279, %lt3A_282 : i32
      %lt3A_284 = arith.constant 0 : i32
      %lt3A_285 = arith.cmpi slt, %select_n3A_278, %lt3A_284 : i32
      %ne3A_286 = arith.xori %lt3A_283, %lt3A_285 : i1
      %and3A_287 = arith.andi %ne3A_286, %ne3A_281 : i1
      %add3A_288 = arith.addi %rem3A_279, %select_n3A_278 : i32
      %select_n3A_289 = arith.select %and3A_287, %add3A_288, %rem3A_279 : i32
      %mul3A_290 = arith.constant 20 : i32
      %mul3A_291 = arith.muli %select_n3A_289, %mul3A_290 : i32
      %add3A_292 = arith.constant 2 : i32
      %add3A_293 = arith.addi %mul3A_201, %add3A_292 : i32
      %mul3A_294 = arith.constant 20 : i32
      %mul3A_295 = arith.muli %select_n3A_273, %mul3A_294 : i32
      %sub3A_296 = arith.subi %add3A_293, %mul3A_295 : i32
      %add3A_297 = arith.addi %mul3A_291, %sub3A_296 : i32
      %dma_start3A_298 = arith.constant 0 : i32
      %dma_start3A_299 = arith.constant 0 : i32
      %dma_start3A_300 = tpu.memref_slice %arg11[%dma_start3A_298, %add3A_247, %dma_start3A_299] : memref<4x40x128xi32, #tpu.memory_space<vmem>> -> memref<1x1x128xi32, #tpu.memory_space<vmem>>
      %dma_start3A_301 = tpu.memref_squeeze %dma_start3A_300 : memref<1x1x128xi32, #tpu.memory_space<vmem>> -> memref<128xi32, #tpu.memory_space<vmem>>
      %dma_start3A_302 = arith.constant 0 : i32
      %dma_start3A_303 = arith.constant 0 : i32
      %dma_start3A_304 = tpu.memref_slice %arg2[%dma_start3A_302, %dma_start3A_303] : memref<1000000x64xf32, #tpu.memory_space<hbm>> -> memref<1000000x64xf32, #tpu.memory_space<hbm>>
      tpu.enqueue_indirect_dma source(%dma_start3A_304 : memref<1000000x64xf32, #tpu.memory_space<hbm>>) target(%arg16 : memref<128x64xf32, #tpu.memory_space<vmem>>) offsets(%dma_start3A_301 : memref<128xi32, #tpu.memory_space<vmem>>) semaphore(%arg24 : memref<!tpu.dma_semaphore, #tpu.memory_space<semaphore_mem>>)
      %dma_start3A_305 = arith.constant 1 : i32
      %dma_start3A_306 = arith.constant 0 : i32
      %dma_start3A_307 = tpu.memref_slice %arg11[%dma_start3A_305, %add3A_247, %dma_start3A_306] : memref<4x40x128xi32, #tpu.memory_space<vmem>> -> memref<1x1x128xi32, #tpu.memory_space<vmem>>
      %dma_start3A_308 = tpu.memref_squeeze %dma_start3A_307 : memref<1x1x128xi32, #tpu.memory_space<vmem>> -> memref<128xi32, #tpu.memory_space<vmem>>
      %dma_start3A_309 = arith.constant 0 : i32
      %dma_start3A_310 = arith.constant 0 : i32
      %dma_start3A_311 = tpu.memref_slice %arg3[%dma_start3A_309, %dma_start3A_310] : memref<100000x64xf32, #tpu.memory_space<hbm>> -> memref<100000x64xf32, #tpu.memory_space<hbm>>
      tpu.enqueue_indirect_dma source(%dma_start3A_311 : memref<100000x64xf32, #tpu.memory_space<hbm>>) target(%arg17 : memref<128x64xf32, #tpu.memory_space<vmem>>) offsets(%dma_start3A_308 : memref<128xi32, #tpu.memory_space<vmem>>) semaphore(%arg24 : memref<!tpu.dma_semaphore, #tpu.memory_space<semaphore_mem>>)
      %dma_start3A_312 = arith.constant 2 : i32
      %dma_start3A_313 = arith.constant 0 : i32
      %dma_start3A_314 = tpu.memref_slice %arg11[%dma_start3A_312, %add3A_247, %dma_start3A_313] : memref<4x40x128xi32, #tpu.memory_space<vmem>> -> memref<1x1x128xi32, #tpu.memory_space<vmem>>
      %dma_start3A_315 = tpu.memref_squeeze %dma_start3A_314 : memref<1x1x128xi32, #tpu.memory_space<vmem>> -> memref<128xi32, #tpu.memory_space<vmem>>
      %dma_start3A_316 = arith.constant 0 : i32
      %dma_start3A_317 = arith.constant 0 : i32
      %dma_start3A_318 = tpu.memref_slice %arg4[%dma_start3A_316, %dma_start3A_317] : memref<100000x64xf32, #tpu.memory_space<hbm>> -> memref<100000x64xf32, #tpu.memory_space<hbm>>
      tpu.enqueue_indirect_dma source(%dma_start3A_318 : memref<100000x64xf32, #tpu.memory_space<hbm>>) target(%arg18 : memref<128x64xf32, #tpu.memory_space<vmem>>) offsets(%dma_start3A_315 : memref<128xi32, #tpu.memory_space<vmem>>) semaphore(%arg24 : memref<!tpu.dma_semaphore, #tpu.memory_space<semaphore_mem>>)
      %dma_start3A_319 = arith.constant 3 : i32
      %dma_start3A_320 = arith.constant 0 : i32
      %dma_start3A_321 = tpu.memref_slice %arg11[%dma_start3A_319, %add3A_247, %dma_start3A_320] : memref<4x40x128xi32, #tpu.memory_space<vmem>> -> memref<1x1x128xi32, #tpu.memory_space<vmem>>
      %dma_start3A_322 = tpu.memref_squeeze %dma_start3A_321 : memref<1x1x128xi32, #tpu.memory_space<vmem>> -> memref<128xi32, #tpu.memory_space<vmem>>
      %dma_start3A_323 = arith.constant 0 : i32
      %dma_start3A_324 = arith.constant 0 : i32
      %dma_start3A_325 = tpu.memref_slice %arg5[%dma_start3A_323, %dma_start3A_324] : memref<100000x64xf32, #tpu.memory_space<hbm>> -> memref<100000x64xf32, #tpu.memory_space<hbm>>
      tpu.enqueue_indirect_dma source(%dma_start3A_325 : memref<100000x64xf32, #tpu.memory_space<hbm>>) target(%arg19 : memref<128x64xf32, #tpu.memory_space<vmem>>) offsets(%dma_start3A_322 : memref<128xi32, #tpu.memory_space<vmem>>) semaphore(%arg24 : memref<!tpu.dma_semaphore, #tpu.memory_space<semaphore_mem>>)
      %eq3A_326 = arith.constant 18 : i32
      %eq3A_327 = arith.cmpi eq, %sub3A_228, %eq3A_326 : i32
      %add3A_328 = arith.constant 2 : i32
      %add3A_329 = arith.addi %mul3A_201, %add3A_328 : i32
      %lt3A_330 = arith.constant 200 : i32
      %lt3A_331 = arith.cmpi slt, %add3A_329, %lt3A_330 : i32
      %and3A_332 = arith.andi %eq3A_327, %lt3A_331 : i1
      %convert_element_type3A = arith.extui %and3A_332 : i1 to i32
      %cond3A = arith.constant 0 : i32
      %cond3A_333 = arith.cmpi ne, %convert_element_type3A, %cond3A : i32
      scf.if %cond3A_333 {
        %dma_wait3A_502 = arith.constant 0 : i32
        %dma_wait3A_503 = arith.constant 0 : i32
        %dma_wait3A_504 = arith.constant 0 : i32
        %dma_wait3A_505 = tpu.memref_slice %arg11[%dma_wait3A_502, %dma_wait3A_503, %dma_wait3A_504] : memref<4x40x128xi32, #tpu.memory_space<vmem>> -> memref<1x20x128xi32, #tpu.memory_space<vmem>>
        %dma_wait3A_506 = tpu.memref_squeeze %dma_wait3A_505 : memref<1x20x128xi32, #tpu.memory_space<vmem>> -> memref<20x128xi32, #tpu.memory_space<vmem>>
        %dma_wait3A_507 = arith.constant 0 : i32
        %dma_wait3A_508 = tpu.memref_slice %arg6[%mul3A_2, %dma_wait3A_507] : memref<6400x128xi32, #tpu.memory_space<hbm>> -> memref<20x128xi32, #tpu.memory_space<hbm>>
        %dma_wait3A_509 = arith.constant 0 : i32
        %dma_wait3A_510 = arith.constant 0 : i32
        %dma_wait3A_511 = tpu.memref_slice %arg11[%dma_wait3A_502, %dma_wait3A_509, %dma_wait3A_510] : memref<4x40x128xi32, #tpu.memory_space<vmem>> -> memref<1x20x128xi32, #tpu.memory_space<vmem>>
        %dma_wait3A_512 = tpu.memref_squeeze %dma_wait3A_511 : memref<1x20x128xi32, #tpu.memory_space<vmem>> -> memref<20x128xi32, #tpu.memory_space<vmem>>
        %dma_wait3A_513 = arith.constant 0 : i32
        %dma_wait3A_514 = tpu.memref_slice %arg6[%mul3A_2, %dma_wait3A_513] : memref<6400x128xi32, #tpu.memory_space<hbm>> -> memref<20x128xi32, #tpu.memory_space<hbm>>
        tpu.wait_dma2 semaphore(%arg22 : memref<!tpu.dma_semaphore, #tpu.memory_space<semaphore_mem>>) src(%dma_wait3A_514 : memref<20x128xi32, #tpu.memory_space<hbm>>) dst(%dma_wait3A_512 : memref<20x128xi32, #tpu.memory_space<vmem>>)
        %dma_wait3A_515 = arith.constant 1 : i32
        %dma_wait3A_516 = arith.constant 0 : i32
        %dma_wait3A_517 = arith.constant 0 : i32
        %dma_wait3A_518 = tpu.memref_slice %arg11[%dma_wait3A_515, %dma_wait3A_516, %dma_wait3A_517] : memref<4x40x128xi32, #tpu.memory_space<vmem>> -> memref<1x20x128xi32, #tpu.memory_space<vmem>>
        %dma_wait3A_519 = tpu.memref_squeeze %dma_wait3A_518 : memref<1x20x128xi32, #tpu.memory_space<vmem>> -> memref<20x128xi32, #tpu.memory_space<vmem>>
        %dma_wait3A_520 = arith.constant 0 : i32
        %dma_wait3A_521 = tpu.memref_slice %arg7[%mul3A_2, %dma_wait3A_520] : memref<6400x128xi32, #tpu.memory_space<hbm>> -> memref<20x128xi32, #tpu.memory_space<hbm>>
        %dma_wait3A_522 = arith.constant 0 : i32
        %dma_wait3A_523 = arith.constant 0 : i32
        %dma_wait3A_524 = tpu.memref_slice %arg11[%dma_wait3A_515, %dma_wait3A_522, %dma_wait3A_523] : memref<4x40x128xi32, #tpu.memory_space<vmem>> -> memref<1x20x128xi32, #tpu.memory_space<vmem>>
        %dma_wait3A_525 = tpu.memref_squeeze %dma_wait3A_524 : memref<1x20x128xi32, #tpu.memory_space<vmem>> -> memref<20x128xi32, #tpu.memory_space<vmem>>
        %dma_wait3A_526 = arith.constant 0 : i32
        %dma_wait3A_527 = tpu.memref_slice %arg7[%mul3A_2, %dma_wait3A_526] : memref<6400x128xi32, #tpu.memory_space<hbm>> -> memref<20x128xi32, #tpu.memory_space<hbm>>
        tpu.wait_dma2 semaphore(%arg22 : memref<!tpu.dma_semaphore, #tpu.memory_space<semaphore_mem>>) src(%dma_wait3A_527 : memref<20x128xi32, #tpu.memory_space<hbm>>) dst(%dma_wait3A_525 : memref<20x128xi32, #tpu.memory_space<vmem>>)
        %dma_wait3A_528 = arith.constant 2 : i32
        %dma_wait3A_529 = arith.constant 0 : i32
        %dma_wait3A_530 = arith.constant 0 : i32
        %dma_wait3A_531 = tpu.memref_slice %arg11[%dma_wait3A_528, %dma_wait3A_529, %dma_wait3A_530] : memref<4x40x128xi32, #tpu.memory_space<vmem>> -> memref<1x20x128xi32, #tpu.memory_space<vmem>>
        %dma_wait3A_532 = tpu.memref_squeeze %dma_wait3A_531 : memref<1x20x128xi32, #tpu.memory_space<vmem>> -> memref<20x128xi32, #tpu.memory_space<vmem>>
        %dma_wait3A_533 = arith.constant 0 : i32
        %dma_wait3A_534 = tpu.memref_slice %arg8[%mul3A_2, %dma_wait3A_533] : memref<6400x128xi32, #tpu.memory_space<hbm>> -> memref<20x128xi32, #tpu.memory_space<hbm>>
        %dma_wait3A_535 = arith.constant 0 : i32
        %dma_wait3A_536 = arith.constant 0 : i32
        %dma_wait3A_537 = tpu.memref_slice %arg11[%dma_wait3A_528, %dma_wait3A_535, %dma_wait3A_536] : memref<4x40x128xi32, #tpu.memory_space<vmem>> -> memref<1x20x128xi32, #tpu.memory_space<vmem>>
        %dma_wait3A_538 = tpu.memref_squeeze %dma_wait3A_537 : memref<1x20x128xi32, #tpu.memory_space<vmem>> -> memref<20x128xi32, #tpu.memory_space<vmem>>
        %dma_wait3A_539 = arith.constant 0 : i32
        %dma_wait3A_540 = tpu.memref_slice %arg8[%mul3A_2, %dma_wait3A_539] : memref<6400x128xi32, #tpu.memory_space<hbm>> -> memref<20x128xi32, #tpu.memory_space<hbm>>
        tpu.wait_dma2 semaphore(%arg22 : memref<!tpu.dma_semaphore, #tpu.memory_space<semaphore_mem>>) src(%dma_wait3A_540 : memref<20x128xi32, #tpu.memory_space<hbm>>) dst(%dma_wait3A_538 : memref<20x128xi32, #tpu.memory_space<vmem>>)
        %dma_wait3A_541 = arith.constant 3 : i32
        %dma_wait3A_542 = arith.constant 0 : i32
        %dma_wait3A_543 = arith.constant 0 : i32
        %dma_wait3A_544 = tpu.memref_slice %arg11[%dma_wait3A_541, %dma_wait3A_542, %dma_wait3A_543] : memref<4x40x128xi32, #tpu.memory_space<vmem>> -> memref<1x20x128xi32, #tpu.memory_space<vmem>>
        %dma_wait3A_545 = tpu.memref_squeeze %dma_wait3A_544 : memref<1x20x128xi32, #tpu.memory_space<vmem>> -> memref<20x128xi32, #tpu.memory_space<vmem>>
        %dma_wait3A_546 = arith.constant 0 : i32
        %dma_wait3A_547 = tpu.memref_slice %arg9[%mul3A_2, %dma_wait3A_546] : memref<6400x128xi32, #tpu.memory_space<hbm>> -> memref<20x128xi32, #tpu.memory_space<hbm>>
        %dma_wait3A_548 = arith.constant 0 : i32
        %dma_wait3A_549 = arith.constant 0 : i32
        %dma_wait3A_550 = tpu.memref_slice %arg11[%dma_wait3A_541, %dma_wait3A_548, %dma_wait3A_549] : memref<4x40x128xi32, #tpu.memory_space<vmem>> -> memref<1x20x128xi32, #tpu.memory_space<vmem>>
        %dma_wait3A_551 = tpu.memref_squeeze %dma_wait3A_550 : memref<1x20x128xi32, #tpu.memory_space<vmem>> -> memref<20x128xi32, #tpu.memory_space<vmem>>
        %dma_wait3A_552 = arith.constant 0 : i32
        %dma_wait3A_553 = tpu.memref_slice %arg9[%mul3A_2, %dma_wait3A_552] : memref<6400x128xi32, #tpu.memory_space<hbm>> -> memref<20x128xi32, #tpu.memory_space<hbm>>
        tpu.wait_dma2 semaphore(%arg22 : memref<!tpu.dma_semaphore, #tpu.memory_space<semaphore_mem>>) src(%dma_wait3A_553 : memref<20x128xi32, #tpu.memory_space<hbm>>) dst(%dma_wait3A_551 : memref<20x128xi32, #tpu.memory_space<vmem>>)
      } else {
      }
      %eq3A_334 = arith.constant 0 : i32
      %eq3A_335 = arith.cmpi eq, %sub3A_228, %eq3A_334 : i32
      %ge3A = arith.constant 20 : i32
      %ge3A_336 = arith.cmpi sge, %mul3A_201, %ge3A : i32
      %lt3A_337 = arith.constant 180 : i32
      %lt3A_338 = arith.cmpi slt, %mul3A_201, %lt3A_337 : i32
      %and3A_339 = arith.andi %ge3A_336, %lt3A_338 : i1
      %and3A_340 = arith.andi %eq3A_335, %and3A_339 : i1
      %convert_element_type3A_341 = arith.extui %and3A_340 : i1 to i32
      %cond3A_342 = arith.constant 0 : i32
      %cond3A_343 = arith.cmpi ne, %convert_element_type3A_341, %cond3A_342 : i32
      scf.if %cond3A_343 {
        %add3A_502 = arith.constant 1 : i32
        %add3A_503 = arith.addi %select_n3A_225, %add3A_502 : i32
        %jit3A_504 = arith.constant 2 : i32
        %eq3A_505 = arith.constant 0 : i32
        %eq3A_506 = arith.cmpi eq, %jit3A_504, %eq3A_505 : i32
        %jit3A_507 = arith.constant 1 : i32
        %select_n3A_508 = arith.select %eq3A_506, %jit3A_507, %jit3A_504 : i32
        %rem3A_509 = arith.remsi %add3A_503, %select_n3A_508 : i32
        %ne3A_510 = arith.constant 0 : i32
        %ne3A_511 = arith.cmpi ne, %rem3A_509, %ne3A_510 : i32
        %lt3A_512 = arith.constant 0 : i32
        %lt3A_513 = arith.cmpi slt, %rem3A_509, %lt3A_512 : i32
        %lt3A_514 = arith.constant 0 : i32
        %lt3A_515 = arith.cmpi slt, %select_n3A_508, %lt3A_514 : i32
        %ne3A_516 = arith.xori %lt3A_513, %lt3A_515 : i1
        %and3A_517 = arith.andi %ne3A_516, %ne3A_511 : i1
        %add3A_518 = arith.addi %rem3A_509, %select_n3A_508 : i32
        %select_n3A_519 = arith.select %and3A_517, %add3A_518, %rem3A_509 : i32
        %mul3A_520 = arith.constant 20 : i32
        %mul3A_521 = arith.muli %select_n3A_519, %mul3A_520 : i32
        %add3A_522 = arith.constant 1 : i32
        %add3A_523 = arith.addi %select_n3A_225, %add3A_522 : i32
        %mul3A_524 = arith.constant 20 : i32
        %mul3A_525 = arith.muli %add3A_523, %mul3A_524 : i32
        %add3A_526 = arith.addi %mul3A_2, %mul3A_525 : i32
        %dma_start3A_527 = arith.constant 0 : i32
        %dma_start3A_528 = arith.constant 0 : i32
        %dma_start3A_529 = tpu.memref_slice %arg11[%dma_start3A_527, %mul3A_521, %dma_start3A_528] : memref<4x40x128xi32, #tpu.memory_space<vmem>> -> memref<1x20x128xi32, #tpu.memory_space<vmem>>
        %dma_start3A_530 = tpu.memref_squeeze %dma_start3A_529 : memref<1x20x128xi32, #tpu.memory_space<vmem>> -> memref<20x128xi32, #tpu.memory_space<vmem>>
        %dma_start3A_531 = arith.constant 0 : i32
        %dma_start3A_532 = tpu.memref_slice %arg6[%add3A_526, %dma_start3A_531] : memref<6400x128xi32, #tpu.memory_space<hbm>> -> memref<20x128xi32, #tpu.memory_space<hbm>>
        %dma_start3A_533 = arith.constant 0 : i32
        %dma_start3A_534 = tpu.memref_slice %arg11[%dma_start3A_527, %mul3A_521, %dma_start3A_533] : memref<4x40x128xi32, #tpu.memory_space<vmem>> -> memref<1x20x128xi32, #tpu.memory_space<vmem>>
        %dma_start3A_535 = tpu.memref_squeeze %dma_start3A_534 : memref<1x20x128xi32, #tpu.memory_space<vmem>> -> memref<20x128xi32, #tpu.memory_space<vmem>>
        %dma_start3A_536 = arith.constant 0 : i32
        %dma_start3A_537 = tpu.memref_slice %arg6[%add3A_526, %dma_start3A_536] : memref<6400x128xi32, #tpu.memory_space<hbm>> -> memref<20x128xi32, #tpu.memory_space<hbm>>
        tpu.enqueue_dma source(%dma_start3A_537 : memref<20x128xi32, #tpu.memory_space<hbm>>) target(%dma_start3A_535 : memref<20x128xi32, #tpu.memory_space<vmem>>) target_semaphore(%arg22 : memref<!tpu.dma_semaphore, #tpu.memory_space<semaphore_mem>>)
        %add3A_538 = arith.constant 1 : i32
        %add3A_539 = arith.addi %select_n3A_225, %add3A_538 : i32
        %mul3A_540 = arith.constant 20 : i32
        %mul3A_541 = arith.muli %add3A_539, %mul3A_540 : i32
        %add3A_542 = arith.addi %mul3A_2, %mul3A_541 : i32
        %dma_start3A_543 = arith.constant 1 : i32
        %dma_start3A_544 = arith.constant 0 : i32
        %dma_start3A_545 = tpu.memref_slice %arg11[%dma_start3A_543, %mul3A_521, %dma_start3A_544] : memref<4x40x128xi32, #tpu.memory_space<vmem>> -> memref<1x20x128xi32, #tpu.memory_space<vmem>>
        %dma_start3A_546 = tpu.memref_squeeze %dma_start3A_545 : memref<1x20x128xi32, #tpu.memory_space<vmem>> -> memref<20x128xi32, #tpu.memory_space<vmem>>
        %dma_start3A_547 = arith.constant 0 : i32
        %dma_start3A_548 = tpu.memref_slice %arg7[%add3A_542, %dma_start3A_547] : memref<6400x128xi32, #tpu.memory_space<hbm>> -> memref<20x128xi32, #tpu.memory_space<hbm>>
        %dma_start3A_549 = arith.constant 0 : i32
        %dma_start3A_550 = tpu.memref_slice %arg11[%dma_start3A_543, %mul3A_521, %dma_start3A_549] : memref<4x40x128xi32, #tpu.memory_space<vmem>> -> memref<1x20x128xi32, #tpu.memory_space<vmem>>
        %dma_start3A_551 = tpu.memref_squeeze %dma_start3A_550 : memref<1x20x128xi32, #tpu.memory_space<vmem>> -> memref<20x128xi32, #tpu.memory_space<vmem>>
        %dma_start3A_552 = arith.constant 0 : i32
        %dma_start3A_553 = tpu.memref_slice %arg7[%add3A_542, %dma_start3A_552] : memref<6400x128xi32, #tpu.memory_space<hbm>> -> memref<20x128xi32, #tpu.memory_space<hbm>>
        tpu.enqueue_dma source(%dma_start3A_553 : memref<20x128xi32, #tpu.memory_space<hbm>>) target(%dma_start3A_551 : memref<20x128xi32, #tpu.memory_space<vmem>>) target_semaphore(%arg22 : memref<!tpu.dma_semaphore, #tpu.memory_space<semaphore_mem>>)
        %add3A_554 = arith.constant 1 : i32
        %add3A_555 = arith.addi %select_n3A_225, %add3A_554 : i32
        %mul3A_556 = arith.constant 20 : i32
        %mul3A_557 = arith.muli %add3A_555, %mul3A_556 : i32
        %add3A_558 = arith.addi %mul3A_2, %mul3A_557 : i32
        %dma_start3A_559 = arith.constant 2 : i32
        %dma_start3A_560 = arith.constant 0 : i32
        %dma_start3A_561 = tpu.memref_slice %arg11[%dma_start3A_559, %mul3A_521, %dma_start3A_560] : memref<4x40x128xi32, #tpu.memory_space<vmem>> -> memref<1x20x128xi32, #tpu.memory_space<vmem>>
        %dma_start3A_562 = tpu.memref_squeeze %dma_start3A_561 : memref<1x20x128xi32, #tpu.memory_space<vmem>> -> memref<20x128xi32, #tpu.memory_space<vmem>>
        %dma_start3A_563 = arith.constant 0 : i32
        %dma_start3A_564 = tpu.memref_slice %arg8[%add3A_558, %dma_start3A_563] : memref<6400x128xi32, #tpu.memory_space<hbm>> -> memref<20x128xi32, #tpu.memory_space<hbm>>
        %dma_start3A_565 = arith.constant 0 : i32
        %dma_start3A_566 = tpu.memref_slice %arg11[%dma_start3A_559, %mul3A_521, %dma_start3A_565] : memref<4x40x128xi32, #tpu.memory_space<vmem>> -> memref<1x20x128xi32, #tpu.memory_space<vmem>>
        %dma_start3A_567 = tpu.memref_squeeze %dma_start3A_566 : memref<1x20x128xi32, #tpu.memory_space<vmem>> -> memref<20x128xi32, #tpu.memory_space<vmem>>
        %dma_start3A_568 = arith.constant 0 : i32
        %dma_start3A_569 = tpu.memref_slice %arg8[%add3A_558, %dma_start3A_568] : memref<6400x128xi32, #tpu.memory_space<hbm>> -> memref<20x128xi32, #tpu.memory_space<hbm>>
        tpu.enqueue_dma source(%dma_start3A_569 : memref<20x128xi32, #tpu.memory_space<hbm>>) target(%dma_start3A_567 : memref<20x128xi32, #tpu.memory_space<vmem>>) target_semaphore(%arg22 : memref<!tpu.dma_semaphore, #tpu.memory_space<semaphore_mem>>)
        %add3A_570 = arith.constant 1 : i32
        %add3A_571 = arith.addi %select_n3A_225, %add3A_570 : i32
        %mul3A_572 = arith.constant 20 : i32
        %mul3A_573 = arith.muli %add3A_571, %mul3A_572 : i32
        %add3A_574 = arith.addi %mul3A_2, %mul3A_573 : i32
        %dma_start3A_575 = arith.constant 3 : i32
        %dma_start3A_576 = arith.constant 0 : i32
        %dma_start3A_577 = tpu.memref_slice %arg11[%dma_start3A_575, %mul3A_521, %dma_start3A_576] : memref<4x40x128xi32, #tpu.memory_space<vmem>> -> memref<1x20x128xi32, #tpu.memory_space<vmem>>
        %dma_start3A_578 = tpu.memref_squeeze %dma_start3A_577 : memref<1x20x128xi32, #tpu.memory_space<vmem>> -> memref<20x128xi32, #tpu.memory_space<vmem>>
        %dma_start3A_579 = arith.constant 0 : i32
        %dma_start3A_580 = tpu.memref_slice %arg9[%add3A_574, %dma_start3A_579] : memref<6400x128xi32, #tpu.memory_space<hbm>> -> memref<20x128xi32, #tpu.memory_space<hbm>>
        %dma_start3A_581 = arith.constant 0 : i32
        %dma_start3A_582 = tpu.memref_slice %arg11[%dma_start3A_575, %mul3A_521, %dma_start3A_581] : memref<4x40x128xi32, #tpu.memory_space<vmem>> -> memref<1x20x128xi32, #tpu.memory_space<vmem>>
        %dma_start3A_583 = tpu.memref_squeeze %dma_start3A_582 : memref<1x20x128xi32, #tpu.memory_space<vmem>> -> memref<20x128xi32, #tpu.memory_space<vmem>>
        %dma_start3A_584 = arith.constant 0 : i32
        %dma_start3A_585 = tpu.memref_slice %arg9[%add3A_574, %dma_start3A_584] : memref<6400x128xi32, #tpu.memory_space<hbm>> -> memref<20x128xi32, #tpu.memory_space<hbm>>
        tpu.enqueue_dma source(%dma_start3A_585 : memref<20x128xi32, #tpu.memory_space<hbm>>) target(%dma_start3A_583 : memref<20x128xi32, #tpu.memory_space<vmem>>) target_semaphore(%arg22 : memref<!tpu.dma_semaphore, #tpu.memory_space<semaphore_mem>>)
      } else {
      }
      %dma_wait3A_344 = arith.constant 0 : i32
      %dma_wait3A_345 = arith.constant 0 : i32
      %dma_wait3A_346 = tpu.memref_slice %arg2[%dma_wait3A_344, %dma_wait3A_345] : memref<1000000x64xf32, #tpu.memory_space<hbm>> -> memref<128x64xf32, #tpu.memory_space<hbm>>
      %dma_wait3A_347 = arith.constant 0 : i32
      %dma_wait3A_348 = arith.constant 0 : i32
      %dma_wait3A_349 = tpu.memref_slice %arg2[%dma_wait3A_347, %dma_wait3A_348] : memref<1000000x64xf32, #tpu.memory_space<hbm>> -> memref<128x64xf32, #tpu.memory_space<hbm>>
      tpu.wait_dma2 semaphore(%arg23 : memref<!tpu.dma_semaphore, #tpu.memory_space<semaphore_mem>>) src(%dma_wait3A_349 : memref<128x64xf32, #tpu.memory_space<hbm>>) dst(%arg12 : memref<128x64xf32, #tpu.memory_space<vmem>>)
      %dma_wait3A_350 = arith.constant 0 : i32
      %dma_wait3A_351 = arith.constant 0 : i32
      %dma_wait3A_352 = tpu.memref_slice %arg2[%dma_wait3A_350, %dma_wait3A_351] : memref<1000000x64xf32, #tpu.memory_space<hbm>> -> memref<128x64xf32, #tpu.memory_space<hbm>>
      %dma_wait3A_353 = arith.constant 0 : i32
      %dma_wait3A_354 = arith.constant 0 : i32
      %dma_wait3A_355 = tpu.memref_slice %arg2[%dma_wait3A_353, %dma_wait3A_354] : memref<1000000x64xf32, #tpu.memory_space<hbm>> -> memref<128x64xf32, #tpu.memory_space<hbm>>
      tpu.wait_dma2 semaphore(%arg23 : memref<!tpu.dma_semaphore, #tpu.memory_space<semaphore_mem>>) src(%dma_wait3A_355 : memref<128x64xf32, #tpu.memory_space<hbm>>) dst(%arg13 : memref<128x64xf32, #tpu.memory_space<vmem>>)
      %dma_wait3A_356 = arith.constant 0 : i32
      %dma_wait3A_357 = arith.constant 0 : i32
      %dma_wait3A_358 = tpu.memref_slice %arg2[%dma_wait3A_356, %dma_wait3A_357] : memref<1000000x64xf32, #tpu.memory_space<hbm>> -> memref<128x64xf32, #tpu.memory_space<hbm>>
      %dma_wait3A_359 = arith.constant 0 : i32
      %dma_wait3A_360 = arith.constant 0 : i32
      %dma_wait3A_361 = tpu.memref_slice %arg2[%dma_wait3A_359, %dma_wait3A_360] : memref<1000000x64xf32, #tpu.memory_space<hbm>> -> memref<128x64xf32, #tpu.memory_space<hbm>>
      tpu.wait_dma2 semaphore(%arg23 : memref<!tpu.dma_semaphore, #tpu.memory_space<semaphore_mem>>) src(%dma_wait3A_361 : memref<128x64xf32, #tpu.memory_space<hbm>>) dst(%arg14 : memref<128x64xf32, #tpu.memory_space<vmem>>)
      %dma_wait3A_362 = arith.constant 0 : i32
      %dma_wait3A_363 = arith.constant 0 : i32
      %dma_wait3A_364 = tpu.memref_slice %arg2[%dma_wait3A_362, %dma_wait3A_363] : memref<1000000x64xf32, #tpu.memory_space<hbm>> -> memref<128x64xf32, #tpu.memory_space<hbm>>
      %dma_wait3A_365 = arith.constant 0 : i32
      %dma_wait3A_366 = arith.constant 0 : i32
      %dma_wait3A_367 = tpu.memref_slice %arg2[%dma_wait3A_365, %dma_wait3A_366] : memref<1000000x64xf32, #tpu.memory_space<hbm>> -> memref<128x64xf32, #tpu.memory_space<hbm>>
      tpu.wait_dma2 semaphore(%arg23 : memref<!tpu.dma_semaphore, #tpu.memory_space<semaphore_mem>>) src(%dma_wait3A_367 : memref<128x64xf32, #tpu.memory_space<hbm>>) dst(%arg15 : memref<128x64xf32, #tpu.memory_space<vmem>>)
      %gt3A = arith.constant 0 : i32
      %gt3A_368 = arith.cmpi sgt, %scan3A_199, %gt3A : i32
      %convert_element_type3A_369 = arith.extui %gt3A_368 : i1 to i32
      %cond3A_370 = arith.constant 0 : i32
      %cond3A_371 = arith.cmpi ne, %convert_element_type3A_369, %cond3A_370 : i32
      scf.if %cond3A_371 {
        %mul3A_502 = arith.constant 200 : i32
        %mul3A_503 = arith.muli %add3A, %mul3A_502 : i32
        %add3A_504 = arith.addi %mul3A_503, %mul3A_201 : i32
        %jit3A_505 = arith.constant 128 : i32
        %div3A_506 = arith.divsi %add3A_504, %jit3A_505 : i32
        %sign3A_507 = arith.constant 0 : i32
        %sign3A_508 = arith.cmpi sgt, %add3A_504, %sign3A_507 : i32
        %sign3A_509 = arith.extui %sign3A_508 : i1 to i32
        %sign3A_510 = arith.constant 0 : i32
        %sign3A_511 = arith.cmpi slt, %add3A_504, %sign3A_510 : i32
        %sign3A_512 = arith.extui %sign3A_511 : i1 to i32
        %sign3A_513 = arith.subi %sign3A_509, %sign3A_512 : i32
        %sign3A_514 = arith.constant 0 : i32
        %sign3A_515 = arith.cmpi sgt, %jit3A_505, %sign3A_514 : i32
        %sign3A_516 = arith.extui %sign3A_515 : i1 to i32
        %sign3A_517 = arith.constant 0 : i32
        %sign3A_518 = arith.cmpi slt, %jit3A_505, %sign3A_517 : i32
        %sign3A_519 = arith.extui %sign3A_518 : i1 to i32
        %sign3A_520 = arith.subi %sign3A_516, %sign3A_519 : i32
        %ne3A_521 = arith.cmpi ne, %sign3A_513, %sign3A_520 : i32
        %rem3A_522 = arith.remsi %add3A_504, %jit3A_505 : i32
        %ne3A_523 = arith.constant 0 : i32
        %ne3A_524 = arith.cmpi ne, %rem3A_522, %ne3A_523 : i32
        %and3A_525 = arith.andi %ne3A_521, %ne3A_524 : i1
        %sub3A_526 = arith.constant 1 : i32
        %sub3A_527 = arith.subi %div3A_506, %sub3A_526 : i32
        %select_n3A_528 = arith.select %and3A_525, %sub3A_527, %div3A_506 : i32
        %mul3A_529 = arith.constant 128 : i32
        %mul3A_530 = arith.muli %select_n3A_528, %mul3A_529 : i32
        %sub3A_531 = arith.subi %add3A_504, %mul3A_530 : i32
        %dma_wait3A_532 = arith.constant 0 : i32
        %dma_wait3A_533 = arith.constant 0 : i32
        %dma_wait3A_534 = arith.constant 0 : i32
        %dma_wait3A_535 = tpu.memref_slice %arg10[%select_n3A_528, %dma_wait3A_532, %sub3A_531, %dma_wait3A_533, %dma_wait3A_534] : memref<50x8x128x8x128xf32, #tpu.memory_space<hbm>> -> memref<1x8x1x8x128xf32, #tpu.memory_space<hbm>>
        %dma_wait3A_536 = tpu.memref_squeeze %dma_wait3A_535 : memref<1x8x1x8x128xf32, #tpu.memory_space<hbm>> -> memref<8x8x128xf32, #tpu.memory_space<hbm>>
        %dma_wait3A_537 = arith.constant 0 : i32
        %dma_wait3A_538 = arith.constant 0 : i32
        %dma_wait3A_539 = arith.constant 0 : i32
        %dma_wait3A_540 = tpu.memref_slice %arg10[%select_n3A_528, %dma_wait3A_537, %sub3A_531, %dma_wait3A_538, %dma_wait3A_539] : memref<50x8x128x8x128xf32, #tpu.memory_space<hbm>> -> memref<1x8x1x8x128xf32, #tpu.memory_space<hbm>>
        %dma_wait3A_541 = tpu.memref_squeeze %dma_wait3A_540 : memref<1x8x1x8x128xf32, #tpu.memory_space<hbm>> -> memref<8x8x128xf32, #tpu.memory_space<hbm>>
        tpu.wait_dma2 semaphore(%arg25 : memref<!tpu.dma_semaphore, #tpu.memory_space<semaphore_mem>>) src(%arg20 : memref<8x8x128xf32, #tpu.memory_space<vmem>>) dst(%dma_wait3A_541 : memref<8x8x128xf32, #tpu.memory_space<hbm>>)
      } else {
      }
      %scan3A_372 = arith.constant 0 : i32
      %scan3A_373 = arith.constant 0 : i32
      %scan3A_374 = arith.constant 64 : i32
      %scan3A_375 = arith.addi %scan3A_373, %scan3A_374 : i32
      %scan3A_376 = arith.constant 1 : i32
      scf.for %scan3A_502 = %scan3A_373 to %scan3A_375 step %scan3A_376  : i32 {
        %jit3A_503 = arith.constant 8 : i32
        %div3A_504 = arith.divsi %scan3A_502, %jit3A_503 : i32
        %sign3A_505 = arith.constant 0 : i32
        %sign3A_506 = arith.cmpi sgt, %scan3A_502, %sign3A_505 : i32
        %sign3A_507 = arith.extui %sign3A_506 : i1 to i32
        %sign3A_508 = arith.constant 0 : i32
        %sign3A_509 = arith.cmpi slt, %scan3A_502, %sign3A_508 : i32
        %sign3A_510 = arith.extui %sign3A_509 : i1 to i32
        %sign3A_511 = arith.subi %sign3A_507, %sign3A_510 : i32
        %sign3A_512 = arith.constant 0 : i32
        %sign3A_513 = arith.cmpi sgt, %jit3A_503, %sign3A_512 : i32
        %sign3A_514 = arith.extui %sign3A_513 : i1 to i32
        %sign3A_515 = arith.constant 0 : i32
        %sign3A_516 = arith.cmpi slt, %jit3A_503, %sign3A_515 : i32
        %sign3A_517 = arith.extui %sign3A_516 : i1 to i32
        %sign3A_518 = arith.subi %sign3A_514, %sign3A_517 : i32
        %ne3A_519 = arith.cmpi ne, %sign3A_511, %sign3A_518 : i32
        %rem3A_520 = arith.remsi %scan3A_502, %jit3A_503 : i32
        %ne3A_521 = arith.constant 0 : i32
        %ne3A_522 = arith.cmpi ne, %rem3A_520, %ne3A_521 : i32
        %and3A_523 = arith.andi %ne3A_519, %ne3A_522 : i1
        %sub3A_524 = arith.constant 1 : i32
        %sub3A_525 = arith.subi %div3A_504, %sub3A_524 : i32
        %select_n3A_526 = arith.select %and3A_523, %sub3A_525, %div3A_504 : i32
        %mul3A_527 = arith.constant 8 : i32
        %mul3A_528 = arith.muli %select_n3A_526, %mul3A_527 : i32
        %sub3A_529 = arith.subi %scan3A_502, %mul3A_528 : i32
        %broadcast_in_dim3A = vector.broadcast %scan3A_502 : i32 to vector<16xi32>
        %gather3A = tpu.vector_load_idx %arg12[%add3A_99, %broadcast_in_dim3A] : memref<128x64xf32, #tpu.memory_space<vmem>>[vector<16xi32>, vector<16xi32>], vector<16xf32>,
        %gather3A_530 = tpu.vector_load_idx %arg13[%add3A_99, %broadcast_in_dim3A] : memref<128x64xf32, #tpu.memory_space<vmem>>[vector<16xi32>, vector<16xi32>], vector<16xf32>,
        %gather3A_531 = tpu.vector_load_idx %arg14[%add3A_99, %broadcast_in_dim3A] : memref<128x64xf32, #tpu.memory_space<vmem>>[vector<16xi32>, vector<16xi32>], vector<16xf32>,
        %gather3A_532 = tpu.vector_load_idx %arg15[%add3A_99, %broadcast_in_dim3A] : memref<128x64xf32, #tpu.memory_space<vmem>>[vector<16xi32>, vector<16xi32>], vector<16xf32>,
        %add3A_533 = arith.addf %gather3A, %gather3A_530 : vector<16xf32>
        %add3A_534 = arith.addf %gather3A_531, %gather3A_532 : vector<16xf32>
        %add3A_535 = arith.addf %add3A_533, %add3A_534 : vector<16xf32>
        %swap3A = arith.index_cast %select_n3A_526 : i32 to index
        %swap3A_536 = arith.index_cast %sub3A_529 : i32 to index
        %swap3A_537 = arith.constant 0 : index
        %swap3A_538 = tpu.vector_load %arg20[%swap3A, %swap3A_536, %swap3A_537] {strides = array<i32>} : memref<8x8x128xf32, #tpu.memory_space<vmem>>, vector<16xf32>,
        tpu.vector_store %arg20[%swap3A, %swap3A_536, %swap3A_537], %add3A_535 {strides = array<i32>} : memref<8x8x128xf32, #tpu.memory_space<vmem>>, vector<16xf32>,
        %gather3A_539 = tpu.vector_load_idx %arg12[%add3A_102, %broadcast_in_dim3A] : memref<128x64xf32, #tpu.memory_space<vmem>>[vector<16xi32>, vector<16xi32>], vector<16xf32>,
        %gather3A_540 = tpu.vector_load_idx %arg13[%add3A_102, %broadcast_in_dim3A] : memref<128x64xf32, #tpu.memory_space<vmem>>[vector<16xi32>, vector<16xi32>], vector<16xf32>,
        %gather3A_541 = tpu.vector_load_idx %arg14[%add3A_102, %broadcast_in_dim3A] : memref<128x64xf32, #tpu.memory_space<vmem>>[vector<16xi32>, vector<16xi32>], vector<16xf32>,
        %gather3A_542 = tpu.vector_load_idx %arg15[%add3A_102, %broadcast_in_dim3A] : memref<128x64xf32, #tpu.memory_space<vmem>>[vector<16xi32>, vector<16xi32>], vector<16xf32>,
        %add3A_543 = arith.addf %gather3A_539, %gather3A_540 : vector<16xf32>
        %add3A_544 = arith.addf %gather3A_541, %gather3A_542 : vector<16xf32>
        %add3A_545 = arith.addf %add3A_543, %add3A_544 : vector<16xf32>
        %swap3A_546 = arith.index_cast %select_n3A_526 : i32 to index
        %swap3A_547 = arith.index_cast %sub3A_529 : i32 to index
        %swap3A_548 = arith.constant 16 : index
        %swap3A_549 = tpu.vector_load %arg20[%swap3A_546, %swap3A_547, %swap3A_548] {strides = array<i32>} : memref<8x8x128xf32, #tpu.memory_space<vmem>>, vector<16xf32>,
        tpu.vector_store %arg20[%swap3A_546, %swap3A_547, %swap3A_548], %add3A_545 {strides = array<i32>} : memref<8x8x128xf32, #tpu.memory_space<vmem>>, vector<16xf32>,
        %gather3A_550 = tpu.vector_load_idx %arg12[%add3A_105, %broadcast_in_dim3A] : memref<128x64xf32, #tpu.memory_space<vmem>>[vector<16xi32>, vector<16xi32>], vector<16xf32>,
        %gather3A_551 = tpu.vector_load_idx %arg13[%add3A_105, %broadcast_in_dim3A] : memref<128x64xf32, #tpu.memory_space<vmem>>[vector<16xi32>, vector<16xi32>], vector<16xf32>,
        %gather3A_552 = tpu.vector_load_idx %arg14[%add3A_105, %broadcast_in_dim3A] : memref<128x64xf32, #tpu.memory_space<vmem>>[vector<16xi32>, vector<16xi32>], vector<16xf32>,
        %gather3A_553 = tpu.vector_load_idx %arg15[%add3A_105, %broadcast_in_dim3A] : memref<128x64xf32, #tpu.memory_space<vmem>>[vector<16xi32>, vector<16xi32>], vector<16xf32>,
        %add3A_554 = arith.addf %gather3A_550, %gather3A_551 : vector<16xf32>
        %add3A_555 = arith.addf %gather3A_552, %gather3A_553 : vector<16xf32>
        %add3A_556 = arith.addf %add3A_554, %add3A_555 : vector<16xf32>
        %swap3A_557 = arith.index_cast %select_n3A_526 : i32 to index
        %swap3A_558 = arith.index_cast %sub3A_529 : i32 to index
        %swap3A_559 = arith.constant 32 : index
        %swap3A_560 = tpu.vector_load %arg20[%swap3A_557, %swap3A_558, %swap3A_559] {strides = array<i32>} : memref<8x8x128xf32, #tpu.memory_space<vmem>>, vector<16xf32>,
        tpu.vector_store %arg20[%swap3A_557, %swap3A_558, %swap3A_559], %add3A_556 {strides = array<i32>} : memref<8x8x128xf32, #tpu.memory_space<vmem>>, vector<16xf32>,
        %gather3A_561 = tpu.vector_load_idx %arg12[%add3A_108, %broadcast_in_dim3A] : memref<128x64xf32, #tpu.memory_space<vmem>>[vector<16xi32>, vector<16xi32>], vector<16xf32>,
        %gather3A_562 = tpu.vector_load_idx %arg13[%add3A_108, %broadcast_in_dim3A] : memref<128x64xf32, #tpu.memory_space<vmem>>[vector<16xi32>, vector<16xi32>], vector<16xf32>,
        %gather3A_563 = tpu.vector_load_idx %arg14[%add3A_108, %broadcast_in_dim3A] : memref<128x64xf32, #tpu.memory_space<vmem>>[vector<16xi32>, vector<16xi32>], vector<16xf32>,
        %gather3A_564 = tpu.vector_load_idx %arg15[%add3A_108, %broadcast_in_dim3A] : memref<128x64xf32, #tpu.memory_space<vmem>>[vector<16xi32>, vector<16xi32>], vector<16xf32>,
        %add3A_565 = arith.addf %gather3A_561, %gather3A_562 : vector<16xf32>
        %add3A_566 = arith.addf %gather3A_563, %gather3A_564 : vector<16xf32>
        %add3A_567 = arith.addf %add3A_565, %add3A_566 : vector<16xf32>
        %swap3A_568 = arith.index_cast %select_n3A_526 : i32 to index
        %swap3A_569 = arith.index_cast %sub3A_529 : i32 to index
        %swap3A_570 = arith.constant 48 : index
        %swap3A_571 = tpu.vector_load %arg20[%swap3A_568, %swap3A_569, %swap3A_570] {strides = array<i32>} : memref<8x8x128xf32, #tpu.memory_space<vmem>>, vector<16xf32>,
        tpu.vector_store %arg20[%swap3A_568, %swap3A_569, %swap3A_570], %add3A_567 {strides = array<i32>} : memref<8x8x128xf32, #tpu.memory_space<vmem>>, vector<16xf32>,
        %gather3A_572 = tpu.vector_load_idx %arg12[%add3A_111, %broadcast_in_dim3A] : memref<128x64xf32, #tpu.memory_space<vmem>>[vector<16xi32>, vector<16xi32>], vector<16xf32>,
        %gather3A_573 = tpu.vector_load_idx %arg13[%add3A_111, %broadcast_in_dim3A] : memref<128x64xf32, #tpu.memory_space<vmem>>[vector<16xi32>, vector<16xi32>], vector<16xf32>,
        %gather3A_574 = tpu.vector_load_idx %arg14[%add3A_111, %broadcast_in_dim3A] : memref<128x64xf32, #tpu.memory_space<vmem>>[vector<16xi32>, vector<16xi32>], vector<16xf32>,
        %gather3A_575 = tpu.vector_load_idx %arg15[%add3A_111, %broadcast_in_dim3A] : memref<128x64xf32, #tpu.memory_space<vmem>>[vector<16xi32>, vector<16xi32>], vector<16xf32>,
        %add3A_576 = arith.addf %gather3A_572, %gather3A_573 : vector<16xf32>
        %add3A_577 = arith.addf %gather3A_574, %gather3A_575 : vector<16xf32>
        %add3A_578 = arith.addf %add3A_576, %add3A_577 : vector<16xf32>
        %swap3A_579 = arith.index_cast %select_n3A_526 : i32 to index
        %swap3A_580 = arith.index_cast %sub3A_529 : i32 to index
        %swap3A_581 = arith.constant 64 : index
        %swap3A_582 = tpu.vector_load %arg20[%swap3A_579, %swap3A_580, %swap3A_581] {strides = array<i32>} : memref<8x8x128xf32, #tpu.memory_space<vmem>>, vector<16xf32>,
        tpu.vector_store %arg20[%swap3A_579, %swap3A_580, %swap3A_581], %add3A_578 {strides = array<i32>} : memref<8x8x128xf32, #tpu.memory_space<vmem>>, vector<16xf32>,
        %gather3A_583 = tpu.vector_load_idx %arg12[%add3A_114, %broadcast_in_dim3A] : memref<128x64xf32, #tpu.memory_space<vmem>>[vector<16xi32>, vector<16xi32>], vector<16xf32>,
        %gather3A_584 = tpu.vector_load_idx %arg13[%add3A_114, %broadcast_in_dim3A] : memref<128x64xf32, #tpu.memory_space<vmem>>[vector<16xi32>, vector<16xi32>], vector<16xf32>,
        %gather3A_585 = tpu.vector_load_idx %arg14[%add3A_114, %broadcast_in_dim3A] : memref<128x64xf32, #tpu.memory_space<vmem>>[vector<16xi32>, vector<16xi32>], vector<16xf32>,
        %gather3A_586 = tpu.vector_load_idx %arg15[%add3A_114, %broadcast_in_dim3A] : memref<128x64xf32, #tpu.memory_space<vmem>>[vector<16xi32>, vector<16xi32>], vector<16xf32>,
        %add3A_587 = arith.addf %gather3A_583, %gather3A_584 : vector<16xf32>
        %add3A_588 = arith.addf %gather3A_585, %gather3A_586 : vector<16xf32>
        %add3A_589 = arith.addf %add3A_587, %add3A_588 : vector<16xf32>
        %swap3A_590 = arith.index_cast %select_n3A_526 : i32 to index
        %swap3A_591 = arith.index_cast %sub3A_529 : i32 to index
        %swap3A_592 = arith.constant 80 : index
        %swap3A_593 = tpu.vector_load %arg20[%swap3A_590, %swap3A_591, %swap3A_592] {strides = array<i32>} : memref<8x8x128xf32, #tpu.memory_space<vmem>>, vector<16xf32>,
        tpu.vector_store %arg20[%swap3A_590, %swap3A_591, %swap3A_592], %add3A_589 {strides = array<i32>} : memref<8x8x128xf32, #tpu.memory_space<vmem>>, vector<16xf32>,
        %gather3A_594 = tpu.vector_load_idx %arg12[%add3A_117, %broadcast_in_dim3A] : memref<128x64xf32, #tpu.memory_space<vmem>>[vector<16xi32>, vector<16xi32>], vector<16xf32>,
        %gather3A_595 = tpu.vector_load_idx %arg13[%add3A_117, %broadcast_in_dim3A] : memref<128x64xf32, #tpu.memory_space<vmem>>[vector<16xi32>, vector<16xi32>], vector<16xf32>,
        %gather3A_596 = tpu.vector_load_idx %arg14[%add3A_117, %broadcast_in_dim3A] : memref<128x64xf32, #tpu.memory_space<vmem>>[vector<16xi32>, vector<16xi32>], vector<16xf32>,
        %gather3A_597 = tpu.vector_load_idx %arg15[%add3A_117, %broadcast_in_dim3A] : memref<128x64xf32, #tpu.memory_space<vmem>>[vector<16xi32>, vector<16xi32>], vector<16xf32>,
        %add3A_598 = arith.addf %gather3A_594, %gather3A_595 : vector<16xf32>
        %add3A_599 = arith.addf %gather3A_596, %gather3A_597 : vector<16xf32>
        %add3A_600 = arith.addf %add3A_598, %add3A_599 : vector<16xf32>
        %swap3A_601 = arith.index_cast %select_n3A_526 : i32 to index
        %swap3A_602 = arith.index_cast %sub3A_529 : i32 to index
        %swap3A_603 = arith.constant 96 : index
        %swap3A_604 = tpu.vector_load %arg20[%swap3A_601, %swap3A_602, %swap3A_603] {strides = array<i32>} : memref<8x8x128xf32, #tpu.memory_space<vmem>>, vector<16xf32>,
        tpu.vector_store %arg20[%swap3A_601, %swap3A_602, %swap3A_603], %add3A_600 {strides = array<i32>} : memref<8x8x128xf32, #tpu.memory_space<vmem>>, vector<16xf32>,
        %gather3A_605 = tpu.vector_load_idx %arg12[%add3A_120, %broadcast_in_dim3A] : memref<128x64xf32, #tpu.memory_space<vmem>>[vector<16xi32>, vector<16xi32>], vector<16xf32>,
        %gather3A_606 = tpu.vector_load_idx %arg13[%add3A_120, %broadcast_in_dim3A] : memref<128x64xf32, #tpu.memory_space<vmem>>[vector<16xi32>, vector<16xi32>], vector<16xf32>,
        %gather3A_607 = tpu.vector_load_idx %arg14[%add3A_120, %broadcast_in_dim3A] : memref<128x64xf32, #tpu.memory_space<vmem>>[vector<16xi32>, vector<16xi32>], vector<16xf32>,
        %gather3A_608 = tpu.vector_load_idx %arg15[%add3A_120, %broadcast_in_dim3A] : memref<128x64xf32, #tpu.memory_space<vmem>>[vector<16xi32>, vector<16xi32>], vector<16xf32>,
        %add3A_609 = arith.addf %gather3A_605, %gather3A_606 : vector<16xf32>
        %add3A_610 = arith.addf %gather3A_607, %gather3A_608 : vector<16xf32>
        %add3A_611 = arith.addf %add3A_609, %add3A_610 : vector<16xf32>
        %swap3A_612 = arith.index_cast %select_n3A_526 : i32 to index
        %swap3A_613 = arith.index_cast %sub3A_529 : i32 to index
        %swap3A_614 = arith.constant 112 : index
        %swap3A_615 = tpu.vector_load %arg20[%swap3A_612, %swap3A_613, %swap3A_614] {strides = array<i32>} : memref<8x8x128xf32, #tpu.memory_space<vmem>>, vector<16xf32>,
        tpu.vector_store %arg20[%swap3A_612, %swap3A_613, %swap3A_614], %add3A_611 {strides = array<i32>} : memref<8x8x128xf32, #tpu.memory_space<vmem>>, vector<16xf32>,
      }
      %scan3A_377 = arith.constant 64 : i32
      %mul3A_378 = arith.constant 200 : i32
      %mul3A_379 = arith.muli %add3A, %mul3A_378 : i32
      %add3A_380 = arith.addi %mul3A_379, %mul3A_201 : i32
      %jit3A_381 = arith.constant 128 : i32
      %div3A_382 = arith.divsi %add3A_380, %jit3A_381 : i32
      %sign3A_383 = arith.constant 0 : i32
      %sign3A_384 = arith.cmpi sgt, %add3A_380, %sign3A_383 : i32
      %sign3A_385 = arith.extui %sign3A_384 : i1 to i32
      %sign3A_386 = arith.constant 0 : i32
      %sign3A_387 = arith.cmpi slt, %add3A_380, %sign3A_386 : i32
      %sign3A_388 = arith.extui %sign3A_387 : i1 to i32
      %sign3A_389 = arith.subi %sign3A_385, %sign3A_388 : i32
      %sign3A_390 = arith.constant 0 : i32
      %sign3A_391 = arith.cmpi sgt, %jit3A_381, %sign3A_390 : i32
      %sign3A_392 = arith.extui %sign3A_391 : i1 to i32
      %sign3A_393 = arith.constant 0 : i32
      %sign3A_394 = arith.cmpi slt, %jit3A_381, %sign3A_393 : i32
      %sign3A_395 = arith.extui %sign3A_394 : i1 to i32
      %sign3A_396 = arith.subi %sign3A_392, %sign3A_395 : i32
      %ne3A_397 = arith.cmpi ne, %sign3A_389, %sign3A_396 : i32
      %rem3A_398 = arith.remsi %add3A_380, %jit3A_381 : i32
      %ne3A_399 = arith.constant 0 : i32
      %ne3A_400 = arith.cmpi ne, %rem3A_398, %ne3A_399 : i32
      %and3A_401 = arith.andi %ne3A_397, %ne3A_400 : i1
      %sub3A_402 = arith.constant 1 : i32
      %sub3A_403 = arith.subi %div3A_382, %sub3A_402 : i32
      %select_n3A_404 = arith.select %and3A_401, %sub3A_403, %div3A_382 : i32
      %mul3A_405 = arith.constant 128 : i32
      %mul3A_406 = arith.muli %select_n3A_404, %mul3A_405 : i32
      %sub3A_407 = arith.subi %add3A_380, %mul3A_406 : i32
      %dma_start3A_408 = arith.constant 0 : i32
      %dma_start3A_409 = arith.constant 0 : i32
      %dma_start3A_410 = arith.constant 0 : i32
      %dma_start3A_411 = tpu.memref_slice %arg10[%select_n3A_404, %dma_start3A_408, %sub3A_407, %dma_start3A_409, %dma_start3A_410] : memref<50x8x128x8x128xf32, #tpu.memory_space<hbm>> -> memref<1x8x1x8x128xf32, #tpu.memory_space<hbm>>
      %dma_start3A_412 = tpu.memref_squeeze %dma_start3A_411 : memref<1x8x1x8x128xf32, #tpu.memory_space<hbm>> -> memref<8x8x128xf32, #tpu.memory_space<hbm>>
      %dma_start3A_413 = arith.constant 0 : i32
      %dma_start3A_414 = arith.constant 0 : i32
      %dma_start3A_415 = arith.constant 0 : i32
      %dma_start3A_416 = tpu.memref_slice %arg10[%select_n3A_404, %dma_start3A_413, %sub3A_407, %dma_start3A_414, %dma_start3A_415] : memref<50x8x128x8x128xf32, #tpu.memory_space<hbm>> -> memref<1x8x1x8x128xf32, #tpu.memory_space<hbm>>
      %dma_start3A_417 = tpu.memref_squeeze %dma_start3A_416 : memref<1x8x1x8x128xf32, #tpu.memory_space<hbm>> -> memref<8x8x128xf32, #tpu.memory_space<hbm>>
      tpu.enqueue_dma source(%arg20 : memref<8x8x128xf32, #tpu.memory_space<vmem>>) target(%dma_start3A_417 : memref<8x8x128xf32, #tpu.memory_space<hbm>>) target_semaphore(%arg25 : memref<!tpu.dma_semaphore, #tpu.memory_space<semaphore_mem>>)
      %add3A_418 = arith.constant 2 : i32
      %add3A_419 = arith.addi %mul3A_201, %add3A_418 : i32
      %lt3A_420 = arith.constant 200 : i32
      %lt3A_421 = arith.cmpi slt, %add3A_419, %lt3A_420 : i32
      %convert_element_type3A_422 = arith.extui %lt3A_421 : i1 to i32
      %cond3A_423 = arith.constant 0 : i32
      %cond3A_424 = arith.cmpi ne, %convert_element_type3A_422, %cond3A_423 : i32
      scf.if %cond3A_424 {
        %dma_start3A_502 = arith.constant 0 : i32
        %dma_start3A_503 = arith.constant 0 : i32
        %dma_start3A_504 = tpu.memref_slice %arg11[%dma_start3A_502, %add3A_297, %dma_start3A_503] : memref<4x40x128xi32, #tpu.memory_space<vmem>> -> memref<1x1x128xi32, #tpu.memory_space<vmem>>
        %dma_start3A_505 = tpu.memref_squeeze %dma_start3A_504 : memref<1x1x128xi32, #tpu.memory_space<vmem>> -> memref<128xi32, #tpu.memory_space<vmem>>
        %dma_start3A_506 = arith.constant 0 : i32
        %dma_start3A_507 = arith.constant 0 : i32
        %dma_start3A_508 = tpu.memref_slice %arg2[%dma_start3A_506, %dma_start3A_507] : memref<1000000x64xf32, #tpu.memory_space<hbm>> -> memref<1000000x64xf32, #tpu.memory_space<hbm>>
        tpu.enqueue_indirect_dma source(%dma_start3A_508 : memref<1000000x64xf32, #tpu.memory_space<hbm>>) target(%arg12 : memref<128x64xf32, #tpu.memory_space<vmem>>) offsets(%dma_start3A_505 : memref<128xi32, #tpu.memory_space<vmem>>) semaphore(%arg23 : memref<!tpu.dma_semaphore, #tpu.memory_space<semaphore_mem>>)
        %dma_start3A_509 = arith.constant 1 : i32
        %dma_start3A_510 = arith.constant 0 : i32
        %dma_start3A_511 = tpu.memref_slice %arg11[%dma_start3A_509, %add3A_297, %dma_start3A_510] : memref<4x40x128xi32, #tpu.memory_space<vmem>> -> memref<1x1x128xi32, #tpu.memory_space<vmem>>
        %dma_start3A_512 = tpu.memref_squeeze %dma_start3A_511 : memref<1x1x128xi32, #tpu.memory_space<vmem>> -> memref<128xi32, #tpu.memory_space<vmem>>
        %dma_start3A_513 = arith.constant 0 : i32
        %dma_start3A_514 = arith.constant 0 : i32
        %dma_start3A_515 = tpu.memref_slice %arg3[%dma_start3A_513, %dma_start3A_514] : memref<100000x64xf32, #tpu.memory_space<hbm>> -> memref<100000x64xf32, #tpu.memory_space<hbm>>
        tpu.enqueue_indirect_dma source(%dma_start3A_515 : memref<100000x64xf32, #tpu.memory_space<hbm>>) target(%arg13 : memref<128x64xf32, #tpu.memory_space<vmem>>) offsets(%dma_start3A_512 : memref<128xi32, #tpu.memory_space<vmem>>) semaphore(%arg23 : memref<!tpu.dma_semaphore, #tpu.memory_space<semaphore_mem>>)
        %dma_start3A_516 = arith.constant 2 : i32
        %dma_start3A_517 = arith.constant 0 : i32
        %dma_start3A_518 = tpu.memref_slice %arg11[%dma_start3A_516, %add3A_297, %dma_start3A_517] : memref<4x40x128xi32, #tpu.memory_space<vmem>> -> memref<1x1x128xi32, #tpu.memory_space<vmem>>
        %dma_start3A_519 = tpu.memref_squeeze %dma_start3A_518 : memref<1x1x128xi32, #tpu.memory_space<vmem>> -> memref<128xi32, #tpu.memory_space<vmem>>
        %dma_start3A_520 = arith.constant 0 : i32
        %dma_start3A_521 = arith.constant 0 : i32
        %dma_start3A_522 = tpu.memref_slice %arg4[%dma_start3A_520, %dma_start3A_521] : memref<100000x64xf32, #tpu.memory_space<hbm>> -> memref<100000x64xf32, #tpu.memory_space<hbm>>
        tpu.enqueue_indirect_dma source(%dma_start3A_522 : memref<100000x64xf32, #tpu.memory_space<hbm>>) target(%arg14 : memref<128x64xf32, #tpu.memory_space<vmem>>) offsets(%dma_start3A_519 : memref<128xi32, #tpu.memory_space<vmem>>) semaphore(%arg23 : memref<!tpu.dma_semaphore, #tpu.memory_space<semaphore_mem>>)
        %dma_start3A_523 = arith.constant 3 : i32
        %dma_start3A_524 = arith.constant 0 : i32
        %dma_start3A_525 = tpu.memref_slice %arg11[%dma_start3A_523, %add3A_297, %dma_start3A_524] : memref<4x40x128xi32, #tpu.memory_space<vmem>> -> memref<1x1x128xi32, #tpu.memory_space<vmem>>
        %dma_start3A_526 = tpu.memref_squeeze %dma_start3A_525 : memref<1x1x128xi32, #tpu.memory_space<vmem>> -> memref<128xi32, #tpu.memory_space<vmem>>
        %dma_start3A_527 = arith.constant 0 : i32
        %dma_start3A_528 = arith.constant 0 : i32
        %dma_start3A_529 = tpu.memref_slice %arg5[%dma_start3A_527, %dma_start3A_528] : memref<100000x64xf32, #tpu.memory_space<hbm>> -> memref<100000x64xf32, #tpu.memory_space<hbm>>
        tpu.enqueue_indirect_dma source(%dma_start3A_529 : memref<100000x64xf32, #tpu.memory_space<hbm>>) target(%arg15 : memref<128x64xf32, #tpu.memory_space<vmem>>) offsets(%dma_start3A_526 : memref<128xi32, #tpu.memory_space<vmem>>) semaphore(%arg23 : memref<!tpu.dma_semaphore, #tpu.memory_space<semaphore_mem>>)
      } else {
      }
      %dma_wait3A_425 = arith.constant 0 : i32
      %dma_wait3A_426 = arith.constant 0 : i32
      %dma_wait3A_427 = tpu.memref_slice %arg2[%dma_wait3A_425, %dma_wait3A_426] : memref<1000000x64xf32, #tpu.memory_space<hbm>> -> memref<128x64xf32, #tpu.memory_space<hbm>>
      %dma_wait3A_428 = arith.constant 0 : i32
      %dma_wait3A_429 = arith.constant 0 : i32
      %dma_wait3A_430 = tpu.memref_slice %arg2[%dma_wait3A_428, %dma_wait3A_429] : memref<1000000x64xf32, #tpu.memory_space<hbm>> -> memref<128x64xf32, #tpu.memory_space<hbm>>
      tpu.wait_dma2 semaphore(%arg24 : memref<!tpu.dma_semaphore, #tpu.memory_space<semaphore_mem>>) src(%dma_wait3A_430 : memref<128x64xf32, #tpu.memory_space<hbm>>) dst(%arg16 : memref<128x64xf32, #tpu.memory_space<vmem>>)
      %dma_wait3A_431 = arith.constant 0 : i32
      %dma_wait3A_432 = arith.constant 0 : i32
      %dma_wait3A_433 = tpu.memref_slice %arg2[%dma_wait3A_431, %dma_wait3A_432] : memref<1000000x64xf32, #tpu.memory_space<hbm>> -> memref<128x64xf32, #tpu.memory_space<hbm>>
      %dma_wait3A_434 = arith.constant 0 : i32
      %dma_wait3A_435 = arith.constant 0 : i32
      %dma_wait3A_436 = tpu.memref_slice %arg2[%dma_wait3A_434, %dma_wait3A_435] : memref<1000000x64xf32, #tpu.memory_space<hbm>> -> memref<128x64xf32, #tpu.memory_space<hbm>>
      tpu.wait_dma2 semaphore(%arg24 : memref<!tpu.dma_semaphore, #tpu.memory_space<semaphore_mem>>) src(%dma_wait3A_436 : memref<128x64xf32, #tpu.memory_space<hbm>>) dst(%arg17 : memref<128x64xf32, #tpu.memory_space<vmem>>)
      %dma_wait3A_437 = arith.constant 0 : i32
      %dma_wait3A_438 = arith.constant 0 : i32
      %dma_wait3A_439 = tpu.memref_slice %arg2[%dma_wait3A_437, %dma_wait3A_438] : memref<1000000x64xf32, #tpu.memory_space<hbm>> -> memref<128x64xf32, #tpu.memory_space<hbm>>
      %dma_wait3A_440 = arith.constant 0 : i32
      %dma_wait3A_441 = arith.constant 0 : i32
      %dma_wait3A_442 = tpu.memref_slice %arg2[%dma_wait3A_440, %dma_wait3A_441] : memref<1000000x64xf32, #tpu.memory_space<hbm>> -> memref<128x64xf32, #tpu.memory_space<hbm>>
      tpu.wait_dma2 semaphore(%arg24 : memref<!tpu.dma_semaphore, #tpu.memory_space<semaphore_mem>>) src(%dma_wait3A_442 : memref<128x64xf32, #tpu.memory_space<hbm>>) dst(%arg18 : memref<128x64xf32, #tpu.memory_space<vmem>>)
      %dma_wait3A_443 = arith.constant 0 : i32
      %dma_wait3A_444 = arith.constant 0 : i32
      %dma_wait3A_445 = tpu.memref_slice %arg2[%dma_wait3A_443, %dma_wait3A_444] : memref<1000000x64xf32, #tpu.memory_space<hbm>> -> memref<128x64xf32, #tpu.memory_space<hbm>>
      %dma_wait3A_446 = arith.constant 0 : i32
      %dma_wait3A_447 = arith.constant 0 : i32
      %dma_wait3A_448 = tpu.memref_slice %arg2[%dma_wait3A_446, %dma_wait3A_447] : memref<1000000x64xf32, #tpu.memory_space<hbm>> -> memref<128x64xf32, #tpu.memory_space<hbm>>
      tpu.wait_dma2 semaphore(%arg24 : memref<!tpu.dma_semaphore, #tpu.memory_space<semaphore_mem>>) src(%dma_wait3A_448 : memref<128x64xf32, #tpu.memory_space<hbm>>) dst(%arg19 : memref<128x64xf32, #tpu.memory_space<vmem>>)
      %gt3A_449 = arith.constant 0 : i32
      %gt3A_450 = arith.cmpi sgt, %scan3A_199, %gt3A_449 : i32
      %convert_element_type3A_451 = arith.extui %gt3A_450 : i1 to i32
      %cond3A_452 = arith.constant 0 : i32
      %cond3A_453 = arith.cmpi ne, %convert_element_type3A_451, %cond3A_452 : i32
      scf.if %cond3A_453 {
        %add3A_502 = arith.constant 1 : i32
        %add3A_503 = arith.addi %mul3A_201, %add3A_502 : i32
        %mul3A_504 = arith.constant 200 : i32
        %mul3A_505 = arith.muli %add3A, %mul3A_504 : i32
        %add3A_506 = arith.addi %mul3A_505, %add3A_503 : i32
        %jit3A_507 = arith.constant 128 : i32
        %div3A_508 = arith.divsi %add3A_506, %jit3A_507 : i32
        %sign3A_509 = arith.constant 0 : i32
        %sign3A_510 = arith.cmpi sgt, %add3A_506, %sign3A_509 : i32
        %sign3A_511 = arith.extui %sign3A_510 : i1 to i32
        %sign3A_512 = arith.constant 0 : i32
        %sign3A_513 = arith.cmpi slt, %add3A_506, %sign3A_512 : i32
        %sign3A_514 = arith.extui %sign3A_513 : i1 to i32
        %sign3A_515 = arith.subi %sign3A_511, %sign3A_514 : i32
        %sign3A_516 = arith.constant 0 : i32
        %sign3A_517 = arith.cmpi sgt, %jit3A_507, %sign3A_516 : i32
        %sign3A_518 = arith.extui %sign3A_517 : i1 to i32
        %sign3A_519 = arith.constant 0 : i32
        %sign3A_520 = arith.cmpi slt, %jit3A_507, %sign3A_519 : i32
        %sign3A_521 = arith.extui %sign3A_520 : i1 to i32
        %sign3A_522 = arith.subi %sign3A_518, %sign3A_521 : i32
        %ne3A_523 = arith.cmpi ne, %sign3A_515, %sign3A_522 : i32
        %rem3A_524 = arith.remsi %add3A_506, %jit3A_507 : i32
        %ne3A_525 = arith.constant 0 : i32
        %ne3A_526 = arith.cmpi ne, %rem3A_524, %ne3A_525 : i32
        %and3A_527 = arith.andi %ne3A_523, %ne3A_526 : i1
        %sub3A_528 = arith.constant 1 : i32
        %sub3A_529 = arith.subi %div3A_508, %sub3A_528 : i32
        %select_n3A_530 = arith.select %and3A_527, %sub3A_529, %div3A_508 : i32
        %mul3A_531 = arith.constant 128 : i32
        %mul3A_532 = arith.muli %select_n3A_530, %mul3A_531 : i32
        %sub3A_533 = arith.subi %add3A_506, %mul3A_532 : i32
        %dma_wait3A_534 = arith.constant 0 : i32
        %dma_wait3A_535 = arith.constant 0 : i32
        %dma_wait3A_536 = arith.constant 0 : i32
        %dma_wait3A_537 = tpu.memref_slice %arg10[%select_n3A_530, %dma_wait3A_534, %sub3A_533, %dma_wait3A_535, %dma_wait3A_536] : memref<50x8x128x8x128xf32, #tpu.memory_space<hbm>> -> memref<1x8x1x8x128xf32, #tpu.memory_space<hbm>>
        %dma_wait3A_538 = tpu.memref_squeeze %dma_wait3A_537 : memref<1x8x1x8x128xf32, #tpu.memory_space<hbm>> -> memref<8x8x128xf32, #tpu.memory_space<hbm>>
        %dma_wait3A_539 = arith.constant 0 : i32
        %dma_wait3A_540 = arith.constant 0 : i32
        %dma_wait3A_541 = arith.constant 0 : i32
        %dma_wait3A_542 = tpu.memref_slice %arg10[%select_n3A_530, %dma_wait3A_539, %sub3A_533, %dma_wait3A_540, %dma_wait3A_541] : memref<50x8x128x8x128xf32, #tpu.memory_space<hbm>> -> memref<1x8x1x8x128xf32, #tpu.memory_space<hbm>>
        %dma_wait3A_543 = tpu.memref_squeeze %dma_wait3A_542 : memref<1x8x1x8x128xf32, #tpu.memory_space<hbm>> -> memref<8x8x128xf32, #tpu.memory_space<hbm>>
        tpu.wait_dma2 semaphore(%arg26 : memref<!tpu.dma_semaphore, #tpu.memory_space<semaphore_mem>>) src(%arg21 : memref<8x8x128xf32, #tpu.memory_space<vmem>>) dst(%dma_wait3A_543 : memref<8x8x128xf32, #tpu.memory_space<hbm>>)
      } else {
      }
      %scan3A_454 = arith.constant 0 : i32
      %scan3A_455 = arith.constant 0 : i32
      %scan3A_456 = arith.constant 64 : i32
      %scan3A_457 = arith.addi %scan3A_455, %scan3A_456 : i32
      %scan3A_458 = arith.constant 1 : i32
      scf.for %scan3A_502 = %scan3A_455 to %scan3A_457 step %scan3A_458  : i32 {
        %jit3A_503 = arith.constant 8 : i32
        %div3A_504 = arith.divsi %scan3A_502, %jit3A_503 : i32
        %sign3A_505 = arith.constant 0 : i32
        %sign3A_506 = arith.cmpi sgt, %scan3A_502, %sign3A_505 : i32
        %sign3A_507 = arith.extui %sign3A_506 : i1 to i32
        %sign3A_508 = arith.constant 0 : i32
        %sign3A_509 = arith.cmpi slt, %scan3A_502, %sign3A_508 : i32
        %sign3A_510 = arith.extui %sign3A_509 : i1 to i32
        %sign3A_511 = arith.subi %sign3A_507, %sign3A_510 : i32
        %sign3A_512 = arith.constant 0 : i32
        %sign3A_513 = arith.cmpi sgt, %jit3A_503, %sign3A_512 : i32
        %sign3A_514 = arith.extui %sign3A_513 : i1 to i32
        %sign3A_515 = arith.constant 0 : i32
        %sign3A_516 = arith.cmpi slt, %jit3A_503, %sign3A_515 : i32
        %sign3A_517 = arith.extui %sign3A_516 : i1 to i32
        %sign3A_518 = arith.subi %sign3A_514, %sign3A_517 : i32
        %ne3A_519 = arith.cmpi ne, %sign3A_511, %sign3A_518 : i32
        %rem3A_520 = arith.remsi %scan3A_502, %jit3A_503 : i32
        %ne3A_521 = arith.constant 0 : i32
        %ne3A_522 = arith.cmpi ne, %rem3A_520, %ne3A_521 : i32
        %and3A_523 = arith.andi %ne3A_519, %ne3A_522 : i1
        %sub3A_524 = arith.constant 1 : i32
        %sub3A_525 = arith.subi %div3A_504, %sub3A_524 : i32
        %select_n3A_526 = arith.select %and3A_523, %sub3A_525, %div3A_504 : i32
        %mul3A_527 = arith.constant 8 : i32
        %mul3A_528 = arith.muli %select_n3A_526, %mul3A_527 : i32
        %sub3A_529 = arith.subi %scan3A_502, %mul3A_528 : i32
        %broadcast_in_dim3A = vector.broadcast %scan3A_502 : i32 to vector<16xi32>
        %gather3A = tpu.vector_load_idx %arg16[%add3A_99, %broadcast_in_dim3A] : memref<128x64xf32, #tpu.memory_space<vmem>>[vector<16xi32>, vector<16xi32>], vector<16xf32>,
        %gather3A_530 = tpu.vector_load_idx %arg17[%add3A_99, %broadcast_in_dim3A] : memref<128x64xf32, #tpu.memory_space<vmem>>[vector<16xi32>, vector<16xi32>], vector<16xf32>,
        %gather3A_531 = tpu.vector_load_idx %arg18[%add3A_99, %broadcast_in_dim3A] : memref<128x64xf32, #tpu.memory_space<vmem>>[vector<16xi32>, vector<16xi32>], vector<16xf32>,
        %gather3A_532 = tpu.vector_load_idx %arg19[%add3A_99, %broadcast_in_dim3A] : memref<128x64xf32, #tpu.memory_space<vmem>>[vector<16xi32>, vector<16xi32>], vector<16xf32>,
        %add3A_533 = arith.addf %gather3A, %gather3A_530 : vector<16xf32>
        %add3A_534 = arith.addf %gather3A_531, %gather3A_532 : vector<16xf32>
        %add3A_535 = arith.addf %add3A_533, %add3A_534 : vector<16xf32>
        %swap3A = arith.index_cast %select_n3A_526 : i32 to index
        %swap3A_536 = arith.index_cast %sub3A_529 : i32 to index
        %swap3A_537 = arith.constant 0 : index
        %swap3A_538 = tpu.vector_load %arg21[%swap3A, %swap3A_536, %swap3A_537] {strides = array<i32>} : memref<8x8x128xf32, #tpu.memory_space<vmem>>, vector<16xf32>,
        tpu.vector_store %arg21[%swap3A, %swap3A_536, %swap3A_537], %add3A_535 {strides = array<i32>} : memref<8x8x128xf32, #tpu.memory_space<vmem>>, vector<16xf32>,
        %gather3A_539 = tpu.vector_load_idx %arg16[%add3A_102, %broadcast_in_dim3A] : memref<128x64xf32, #tpu.memory_space<vmem>>[vector<16xi32>, vector<16xi32>], vector<16xf32>,
        %gather3A_540 = tpu.vector_load_idx %arg17[%add3A_102, %broadcast_in_dim3A] : memref<128x64xf32, #tpu.memory_space<vmem>>[vector<16xi32>, vector<16xi32>], vector<16xf32>,
        %gather3A_541 = tpu.vector_load_idx %arg18[%add3A_102, %broadcast_in_dim3A] : memref<128x64xf32, #tpu.memory_space<vmem>>[vector<16xi32>, vector<16xi32>], vector<16xf32>,
        %gather3A_542 = tpu.vector_load_idx %arg19[%add3A_102, %broadcast_in_dim3A] : memref<128x64xf32, #tpu.memory_space<vmem>>[vector<16xi32>, vector<16xi32>], vector<16xf32>,
        %add3A_543 = arith.addf %gather3A_539, %gather3A_540 : vector<16xf32>
        %add3A_544 = arith.addf %gather3A_541, %gather3A_542 : vector<16xf32>
        %add3A_545 = arith.addf %add3A_543, %add3A_544 : vector<16xf32>
        %swap3A_546 = arith.index_cast %select_n3A_526 : i32 to index
        %swap3A_547 = arith.index_cast %sub3A_529 : i32 to index
        %swap3A_548 = arith.constant 16 : index
        %swap3A_549 = tpu.vector_load %arg21[%swap3A_546, %swap3A_547, %swap3A_548] {strides = array<i32>} : memref<8x8x128xf32, #tpu.memory_space<vmem>>, vector<16xf32>,
        tpu.vector_store %arg21[%swap3A_546, %swap3A_547, %swap3A_548], %add3A_545 {strides = array<i32>} : memref<8x8x128xf32, #tpu.memory_space<vmem>>, vector<16xf32>,
        %gather3A_550 = tpu.vector_load_idx %arg16[%add3A_105, %broadcast_in_dim3A] : memref<128x64xf32, #tpu.memory_space<vmem>>[vector<16xi32>, vector<16xi32>], vector<16xf32>,
        %gather3A_551 = tpu.vector_load_idx %arg17[%add3A_105, %broadcast_in_dim3A] : memref<128x64xf32, #tpu.memory_space<vmem>>[vector<16xi32>, vector<16xi32>], vector<16xf32>,
        %gather3A_552 = tpu.vector_load_idx %arg18[%add3A_105, %broadcast_in_dim3A] : memref<128x64xf32, #tpu.memory_space<vmem>>[vector<16xi32>, vector<16xi32>], vector<16xf32>,
        %gather3A_553 = tpu.vector_load_idx %arg19[%add3A_105, %broadcast_in_dim3A] : memref<128x64xf32, #tpu.memory_space<vmem>>[vector<16xi32>, vector<16xi32>], vector<16xf32>,
        %add3A_554 = arith.addf %gather3A_550, %gather3A_551 : vector<16xf32>
        %add3A_555 = arith.addf %gather3A_552, %gather3A_553 : vector<16xf32>
        %add3A_556 = arith.addf %add3A_554, %add3A_555 : vector<16xf32>
        %swap3A_557 = arith.index_cast %select_n3A_526 : i32 to index
        %swap3A_558 = arith.index_cast %sub3A_529 : i32 to index
        %swap3A_559 = arith.constant 32 : index
        %swap3A_560 = tpu.vector_load %arg21[%swap3A_557, %swap3A_558, %swap3A_559] {strides = array<i32>} : memref<8x8x128xf32, #tpu.memory_space<vmem>>, vector<16xf32>,
        tpu.vector_store %arg21[%swap3A_557, %swap3A_558, %swap3A_559], %add3A_556 {strides = array<i32>} : memref<8x8x128xf32, #tpu.memory_space<vmem>>, vector<16xf32>,
        %gather3A_561 = tpu.vector_load_idx %arg16[%add3A_108, %broadcast_in_dim3A] : memref<128x64xf32, #tpu.memory_space<vmem>>[vector<16xi32>, vector<16xi32>], vector<16xf32>,
        %gather3A_562 = tpu.vector_load_idx %arg17[%add3A_108, %broadcast_in_dim3A] : memref<128x64xf32, #tpu.memory_space<vmem>>[vector<16xi32>, vector<16xi32>], vector<16xf32>,
        %gather3A_563 = tpu.vector_load_idx %arg18[%add3A_108, %broadcast_in_dim3A] : memref<128x64xf32, #tpu.memory_space<vmem>>[vector<16xi32>, vector<16xi32>], vector<16xf32>,
        %gather3A_564 = tpu.vector_load_idx %arg19[%add3A_108, %broadcast_in_dim3A] : memref<128x64xf32, #tpu.memory_space<vmem>>[vector<16xi32>, vector<16xi32>], vector<16xf32>,
        %add3A_565 = arith.addf %gather3A_561, %gather3A_562 : vector<16xf32>
        %add3A_566 = arith.addf %gather3A_563, %gather3A_564 : vector<16xf32>
        %add3A_567 = arith.addf %add3A_565, %add3A_566 : vector<16xf32>
        %swap3A_568 = arith.index_cast %select_n3A_526 : i32 to index
        %swap3A_569 = arith.index_cast %sub3A_529 : i32 to index
        %swap3A_570 = arith.constant 48 : index
        %swap3A_571 = tpu.vector_load %arg21[%swap3A_568, %swap3A_569, %swap3A_570] {strides = array<i32>} : memref<8x8x128xf32, #tpu.memory_space<vmem>>, vector<16xf32>,
        tpu.vector_store %arg21[%swap3A_568, %swap3A_569, %swap3A_570], %add3A_567 {strides = array<i32>} : memref<8x8x128xf32, #tpu.memory_space<vmem>>, vector<16xf32>,
        %gather3A_572 = tpu.vector_load_idx %arg16[%add3A_111, %broadcast_in_dim3A] : memref<128x64xf32, #tpu.memory_space<vmem>>[vector<16xi32>, vector<16xi32>], vector<16xf32>,
        %gather3A_573 = tpu.vector_load_idx %arg17[%add3A_111, %broadcast_in_dim3A] : memref<128x64xf32, #tpu.memory_space<vmem>>[vector<16xi32>, vector<16xi32>], vector<16xf32>,
        %gather3A_574 = tpu.vector_load_idx %arg18[%add3A_111, %broadcast_in_dim3A] : memref<128x64xf32, #tpu.memory_space<vmem>>[vector<16xi32>, vector<16xi32>], vector<16xf32>,
        %gather3A_575 = tpu.vector_load_idx %arg19[%add3A_111, %broadcast_in_dim3A] : memref<128x64xf32, #tpu.memory_space<vmem>>[vector<16xi32>, vector<16xi32>], vector<16xf32>,
        %add3A_576 = arith.addf %gather3A_572, %gather3A_573 : vector<16xf32>
        %add3A_577 = arith.addf %gather3A_574, %gather3A_575 : vector<16xf32>
        %add3A_578 = arith.addf %add3A_576, %add3A_577 : vector<16xf32>
        %swap3A_579 = arith.index_cast %select_n3A_526 : i32 to index
        %swap3A_580 = arith.index_cast %sub3A_529 : i32 to index
        %swap3A_581 = arith.constant 64 : index
        %swap3A_582 = tpu.vector_load %arg21[%swap3A_579, %swap3A_580, %swap3A_581] {strides = array<i32>} : memref<8x8x128xf32, #tpu.memory_space<vmem>>, vector<16xf32>,
        tpu.vector_store %arg21[%swap3A_579, %swap3A_580, %swap3A_581], %add3A_578 {strides = array<i32>} : memref<8x8x128xf32, #tpu.memory_space<vmem>>, vector<16xf32>,
        %gather3A_583 = tpu.vector_load_idx %arg16[%add3A_114, %broadcast_in_dim3A] : memref<128x64xf32, #tpu.memory_space<vmem>>[vector<16xi32>, vector<16xi32>], vector<16xf32>,
        %gather3A_584 = tpu.vector_load_idx %arg17[%add3A_114, %broadcast_in_dim3A] : memref<128x64xf32, #tpu.memory_space<vmem>>[vector<16xi32>, vector<16xi32>], vector<16xf32>,
        %gather3A_585 = tpu.vector_load_idx %arg18[%add3A_114, %broadcast_in_dim3A] : memref<128x64xf32, #tpu.memory_space<vmem>>[vector<16xi32>, vector<16xi32>], vector<16xf32>,
        %gather3A_586 = tpu.vector_load_idx %arg19[%add3A_114, %broadcast_in_dim3A] : memref<128x64xf32, #tpu.memory_space<vmem>>[vector<16xi32>, vector<16xi32>], vector<16xf32>,
        %add3A_587 = arith.addf %gather3A_583, %gather3A_584 : vector<16xf32>
        %add3A_588 = arith.addf %gather3A_585, %gather3A_586 : vector<16xf32>
        %add3A_589 = arith.addf %add3A_587, %add3A_588 : vector<16xf32>
        %swap3A_590 = arith.index_cast %select_n3A_526 : i32 to index
        %swap3A_591 = arith.index_cast %sub3A_529 : i32 to index
        %swap3A_592 = arith.constant 80 : index
        %swap3A_593 = tpu.vector_load %arg21[%swap3A_590, %swap3A_591, %swap3A_592] {strides = array<i32>} : memref<8x8x128xf32, #tpu.memory_space<vmem>>, vector<16xf32>,
        tpu.vector_store %arg21[%swap3A_590, %swap3A_591, %swap3A_592], %add3A_589 {strides = array<i32>} : memref<8x8x128xf32, #tpu.memory_space<vmem>>, vector<16xf32>,
        %gather3A_594 = tpu.vector_load_idx %arg16[%add3A_117, %broadcast_in_dim3A] : memref<128x64xf32, #tpu.memory_space<vmem>>[vector<16xi32>, vector<16xi32>], vector<16xf32>,
        %gather3A_595 = tpu.vector_load_idx %arg17[%add3A_117, %broadcast_in_dim3A] : memref<128x64xf32, #tpu.memory_space<vmem>>[vector<16xi32>, vector<16xi32>], vector<16xf32>,
        %gather3A_596 = tpu.vector_load_idx %arg18[%add3A_117, %broadcast_in_dim3A] : memref<128x64xf32, #tpu.memory_space<vmem>>[vector<16xi32>, vector<16xi32>], vector<16xf32>,
        %gather3A_597 = tpu.vector_load_idx %arg19[%add3A_117, %broadcast_in_dim3A] : memref<128x64xf32, #tpu.memory_space<vmem>>[vector<16xi32>, vector<16xi32>], vector<16xf32>,
        %add3A_598 = arith.addf %gather3A_594, %gather3A_595 : vector<16xf32>
        %add3A_599 = arith.addf %gather3A_596, %gather3A_597 : vector<16xf32>
        %add3A_600 = arith.addf %add3A_598, %add3A_599 : vector<16xf32>
        %swap3A_601 = arith.index_cast %select_n3A_526 : i32 to index
        %swap3A_602 = arith.index_cast %sub3A_529 : i32 to index
        %swap3A_603 = arith.constant 96 : index
        %swap3A_604 = tpu.vector_load %arg21[%swap3A_601, %swap3A_602, %swap3A_603] {strides = array<i32>} : memref<8x8x128xf32, #tpu.memory_space<vmem>>, vector<16xf32>,
        tpu.vector_store %arg21[%swap3A_601, %swap3A_602, %swap3A_603], %add3A_600 {strides = array<i32>} : memref<8x8x128xf32, #tpu.memory_space<vmem>>, vector<16xf32>,
        %gather3A_605 = tpu.vector_load_idx %arg16[%add3A_120, %broadcast_in_dim3A] : memref<128x64xf32, #tpu.memory_space<vmem>>[vector<16xi32>, vector<16xi32>], vector<16xf32>,
        %gather3A_606 = tpu.vector_load_idx %arg17[%add3A_120, %broadcast_in_dim3A] : memref<128x64xf32, #tpu.memory_space<vmem>>[vector<16xi32>, vector<16xi32>], vector<16xf32>,
        %gather3A_607 = tpu.vector_load_idx %arg18[%add3A_120, %broadcast_in_dim3A] : memref<128x64xf32, #tpu.memory_space<vmem>>[vector<16xi32>, vector<16xi32>], vector<16xf32>,
        %gather3A_608 = tpu.vector_load_idx %arg19[%add3A_120, %broadcast_in_dim3A] : memref<128x64xf32, #tpu.memory_space<vmem>>[vector<16xi32>, vector<16xi32>], vector<16xf32>,
        %add3A_609 = arith.addf %gather3A_605, %gather3A_606 : vector<16xf32>
        %add3A_610 = arith.addf %gather3A_607, %gather3A_608 : vector<16xf32>
        %add3A_611 = arith.addf %add3A_609, %add3A_610 : vector<16xf32>
        %swap3A_612 = arith.index_cast %select_n3A_526 : i32 to index
        %swap3A_613 = arith.index_cast %sub3A_529 : i32 to index
        %swap3A_614 = arith.constant 112 : index
        %swap3A_615 = tpu.vector_load %arg21[%swap3A_612, %swap3A_613, %swap3A_614] {strides = array<i32>} : memref<8x8x128xf32, #tpu.memory_space<vmem>>, vector<16xf32>,
        tpu.vector_store %arg21[%swap3A_612, %swap3A_613, %swap3A_614], %add3A_611 {strides = array<i32>} : memref<8x8x128xf32, #tpu.memory_space<vmem>>, vector<16xf32>,
      }
      %scan3A_459 = arith.constant 64 : i32
      %add3A_460 = arith.constant 1 : i32
      %add3A_461 = arith.addi %mul3A_201, %add3A_460 : i32
      %mul3A_462 = arith.constant 200 : i32
      %mul3A_463 = arith.muli %add3A, %mul3A_462 : i32
      %add3A_464 = arith.addi %mul3A_463, %add3A_461 : i32
      %jit3A_465 = arith.constant 128 : i32
      %div3A_466 = arith.divsi %add3A_464, %jit3A_465 : i32
      %sign3A_467 = arith.constant 0 : i32
      %sign3A_468 = arith.cmpi sgt, %add3A_464, %sign3A_467 : i32
      %sign3A_469 = arith.extui %sign3A_468 : i1 to i32
      %sign3A_470 = arith.constant 0 : i32
      %sign3A_471 = arith.cmpi slt, %add3A_464, %sign3A_470 : i32
      %sign3A_472 = arith.extui %sign3A_471 : i1 to i32
      %sign3A_473 = arith.subi %sign3A_469, %sign3A_472 : i32
      %sign3A_474 = arith.constant 0 : i32
      %sign3A_475 = arith.cmpi sgt, %jit3A_465, %sign3A_474 : i32
      %sign3A_476 = arith.extui %sign3A_475 : i1 to i32
      %sign3A_477 = arith.constant 0 : i32
      %sign3A_478 = arith.cmpi slt, %jit3A_465, %sign3A_477 : i32
      %sign3A_479 = arith.extui %sign3A_478 : i1 to i32
      %sign3A_480 = arith.subi %sign3A_476, %sign3A_479 : i32
      %ne3A_481 = arith.cmpi ne, %sign3A_473, %sign3A_480 : i32
      %rem3A_482 = arith.remsi %add3A_464, %jit3A_465 : i32
      %ne3A_483 = arith.constant 0 : i32
      %ne3A_484 = arith.cmpi ne, %rem3A_482, %ne3A_483 : i32
      %and3A_485 = arith.andi %ne3A_481, %ne3A_484 : i1
      %sub3A_486 = arith.constant 1 : i32
      %sub3A_487 = arith.subi %div3A_466, %sub3A_486 : i32
      %select_n3A_488 = arith.select %and3A_485, %sub3A_487, %div3A_466 : i32
      %mul3A_489 = arith.constant 128 : i32
      %mul3A_490 = arith.muli %select_n3A_488, %mul3A_489 : i32
      %sub3A_491 = arith.subi %add3A_464, %mul3A_490 : i32
      %dma_start3A_492 = arith.constant 0 : i32
      %dma_start3A_493 = arith.constant 0 : i32
      %dma_start3A_494 = arith.constant 0 : i32
      %dma_start3A_495 = tpu.memref_slice %arg10[%select_n3A_488, %dma_start3A_492, %sub3A_491, %dma_start3A_493, %dma_start3A_494] : memref<50x8x128x8x128xf32, #tpu.memory_space<hbm>> -> memref<1x8x1x8x128xf32, #tpu.memory_space<hbm>>
      %dma_start3A_496 = tpu.memref_squeeze %dma_start3A_495 : memref<1x8x1x8x128xf32, #tpu.memory_space<hbm>> -> memref<8x8x128xf32, #tpu.memory_space<hbm>>
      %dma_start3A_497 = arith.constant 0 : i32
      %dma_start3A_498 = arith.constant 0 : i32
      %dma_start3A_499 = arith.constant 0 : i32
      %dma_start3A_500 = tpu.memref_slice %arg10[%select_n3A_488, %dma_start3A_497, %sub3A_491, %dma_start3A_498, %dma_start3A_499] : memref<50x8x128x8x128xf32, #tpu.memory_space<hbm>> -> memref<1x8x1x8x128xf32, #tpu.memory_space<hbm>>
      %dma_start3A_501 = tpu.memref_squeeze %dma_start3A_500 : memref<1x8x1x8x128xf32, #tpu.memory_space<hbm>> -> memref<8x8x128xf32, #tpu.memory_space<hbm>>
      tpu.enqueue_dma source(%arg21 : memref<8x8x128xf32, #tpu.memory_space<vmem>>) target(%dma_start3A_501 : memref<8x8x128xf32, #tpu.memory_space<hbm>>) target_semaphore(%arg26 : memref<!tpu.dma_semaphore, #tpu.memory_space<semaphore_mem>>)
    }
    %scan3A_125 = arith.constant 100 : i32
    %mul3A_126 = arith.constant 200 : i32
    %mul3A_127 = arith.muli %add3A, %mul3A_126 : i32
    %add3A_128 = arith.constant 198 : i32
    %add3A_129 = arith.addi %mul3A_127, %add3A_128 : i32
    %jit3A = arith.constant 128 : i32
    %div3A = arith.divsi %add3A_129, %jit3A : i32
    %sign3A = arith.constant 0 : i32
    %sign3A_130 = arith.cmpi sgt, %add3A_129, %sign3A : i32
    %sign3A_131 = arith.extui %sign3A_130 : i1 to i32
    %sign3A_132 = arith.constant 0 : i32
    %sign3A_133 = arith.cmpi slt, %add3A_129, %sign3A_132 : i32
    %sign3A_134 = arith.extui %sign3A_133 : i1 to i32
    %sign3A_135 = arith.subi %sign3A_131, %sign3A_134 : i32
    %sign3A_136 = arith.constant 0 : i32
    %sign3A_137 = arith.cmpi sgt, %jit3A, %sign3A_136 : i32
    %sign3A_138 = arith.extui %sign3A_137 : i1 to i32
    %sign3A_139 = arith.constant 0 : i32
    %sign3A_140 = arith.cmpi slt, %jit3A, %sign3A_139 : i32
    %sign3A_141 = arith.extui %sign3A_140 : i1 to i32
    %sign3A_142 = arith.subi %sign3A_138, %sign3A_141 : i32
    %ne3A = arith.cmpi ne, %sign3A_135, %sign3A_142 : i32
    %rem3A = arith.remsi %add3A_129, %jit3A : i32
    %ne3A_143 = arith.constant 0 : i32
    %ne3A_144 = arith.cmpi ne, %rem3A, %ne3A_143 : i32
    %and3A = arith.andi %ne3A, %ne3A_144 : i1
    %sub3A = arith.constant 1 : i32
    %sub3A_145 = arith.subi %div3A, %sub3A : i32
    %select_n3A = arith.select %and3A, %sub3A_145, %div3A : i32
    %mul3A_146 = arith.constant 128 : i32
    %mul3A_147 = arith.muli %select_n3A, %mul3A_146 : i32
    %sub3A_148 = arith.subi %add3A_129, %mul3A_147 : i32
    %dma_wait3A = arith.constant 0 : i32
    %dma_wait3A_149 = arith.constant 0 : i32
    %dma_wait3A_150 = arith.constant 0 : i32
    %dma_wait3A_151 = tpu.memref_slice %arg10[%select_n3A, %dma_wait3A, %sub3A_148, %dma_wait3A_149, %dma_wait3A_150] : memref<50x8x128x8x128xf32, #tpu.memory_space<hbm>> -> memref<1x8x1x8x128xf32, #tpu.memory_space<hbm>>
    %dma_wait3A_152 = tpu.memref_squeeze %dma_wait3A_151 : memref<1x8x1x8x128xf32, #tpu.memory_space<hbm>> -> memref<8x8x128xf32, #tpu.memory_space<hbm>>
    %dma_wait3A_153 = arith.constant 0 : i32
    %dma_wait3A_154 = arith.constant 0 : i32
    %dma_wait3A_155 = arith.constant 0 : i32
    %dma_wait3A_156 = tpu.memref_slice %arg10[%select_n3A, %dma_wait3A_153, %sub3A_148, %dma_wait3A_154, %dma_wait3A_155] : memref<50x8x128x8x128xf32, #tpu.memory_space<hbm>> -> memref<1x8x1x8x128xf32, #tpu.memory_space<hbm>>
    %dma_wait3A_157 = tpu.memref_squeeze %dma_wait3A_156 : memref<1x8x1x8x128xf32, #tpu.memory_space<hbm>> -> memref<8x8x128xf32, #tpu.memory_space<hbm>>
    tpu.wait_dma2 semaphore(%arg25 : memref<!tpu.dma_semaphore, #tpu.memory_space<semaphore_mem>>) src(%arg20 : memref<8x8x128xf32, #tpu.memory_space<vmem>>) dst(%dma_wait3A_157 : memref<8x8x128xf32, #tpu.memory_space<hbm>>)
    %mul3A_158 = arith.constant 200 : i32
    %mul3A_159 = arith.muli %add3A, %mul3A_158 : i32
    %add3A_160 = arith.constant 199 : i32
    %add3A_161 = arith.addi %mul3A_159, %add3A_160 : i32
    %jit3A_162 = arith.constant 128 : i32
    %div3A_163 = arith.divsi %add3A_161, %jit3A_162 : i32
    %sign3A_164 = arith.constant 0 : i32
    %sign3A_165 = arith.cmpi sgt, %add3A_161, %sign3A_164 : i32
    %sign3A_166 = arith.extui %sign3A_165 : i1 to i32
    %sign3A_167 = arith.constant 0 : i32
    %sign3A_168 = arith.cmpi slt, %add3A_161, %sign3A_167 : i32
    %sign3A_169 = arith.extui %sign3A_168 : i1 to i32
    %sign3A_170 = arith.subi %sign3A_166, %sign3A_169 : i32
    %sign3A_171 = arith.constant 0 : i32
    %sign3A_172 = arith.cmpi sgt, %jit3A_162, %sign3A_171 : i32
    %sign3A_173 = arith.extui %sign3A_172 : i1 to i32
    %sign3A_174 = arith.constant 0 : i32
    %sign3A_175 = arith.cmpi slt, %jit3A_162, %sign3A_174 : i32
    %sign3A_176 = arith.extui %sign3A_175 : i1 to i32
    %sign3A_177 = arith.subi %sign3A_173, %sign3A_176 : i32
    %ne3A_178 = arith.cmpi ne, %sign3A_170, %sign3A_177 : i32
    %rem3A_179 = arith.remsi %add3A_161, %jit3A_162 : i32
    %ne3A_180 = arith.constant 0 : i32
    %ne3A_181 = arith.cmpi ne, %rem3A_179, %ne3A_180 : i32
    %and3A_182 = arith.andi %ne3A_178, %ne3A_181 : i1
    %sub3A_183 = arith.constant 1 : i32
    %sub3A_184 = arith.subi %div3A_163, %sub3A_183 : i32
    %select_n3A_185 = arith.select %and3A_182, %sub3A_184, %div3A_163 : i32
    %mul3A_186 = arith.constant 128 : i32
    %mul3A_187 = arith.muli %select_n3A_185, %mul3A_186 : i32
    %sub3A_188 = arith.subi %add3A_161, %mul3A_187 : i32
    %dma_wait3A_189 = arith.constant 0 : i32
    %dma_wait3A_190 = arith.constant 0 : i32
    %dma_wait3A_191 = arith.constant 0 : i32
    %dma_wait3A_192 = tpu.memref_slice %arg10[%select_n3A_185, %dma_wait3A_189, %sub3A_188, %dma_wait3A_190, %dma_wait3A_191] : memref<50x8x128x8x128xf32, #tpu.memory_space<hbm>> -> memref<1x8x1x8x128xf32, #tpu.memory_space<hbm>>
    %dma_wait3A_193 = tpu.memref_squeeze %dma_wait3A_192 : memref<1x8x1x8x128xf32, #tpu.memory_space<hbm>> -> memref<8x8x128xf32, #tpu.memory_space<hbm>>
    %dma_wait3A_194 = arith.constant 0 : i32
    %dma_wait3A_195 = arith.constant 0 : i32
    %dma_wait3A_196 = arith.constant 0 : i32
    %dma_wait3A_197 = tpu.memref_slice %arg10[%select_n3A_185, %dma_wait3A_194, %sub3A_188, %dma_wait3A_195, %dma_wait3A_196] : memref<50x8x128x8x128xf32, #tpu.memory_space<hbm>> -> memref<1x8x1x8x128xf32, #tpu.memory_space<hbm>>
    %dma_wait3A_198 = tpu.memref_squeeze %dma_wait3A_197 : memref<1x8x1x8x128xf32, #tpu.memory_space<hbm>> -> memref<8x8x128xf32, #tpu.memory_space<hbm>>
    tpu.wait_dma2 semaphore(%arg26 : memref<!tpu.dma_semaphore, #tpu.memory_space<semaphore_mem>>) src(%arg21 : memref<8x8x128xf32, #tpu.memory_space<vmem>>) dst(%dma_wait3A_198 : memref<8x8x128xf32, #tpu.memory_space<hbm>>)
    return
  }
}

</mosaic_0001>

<sc_bundles>
// kernel: _run.3.cloned.1.call-start
scs
__scs_entry_jumppad:
0x0: {  	(pc) =	sbr.rel $0x88, $3  }
0x1: {  	(tag) =	ssettag $0x0;
	lr =	simm.s32 $0x1  }
0x2: {  	[smem:$0x3F99] =	sst lr;
	_ =	strace $0xD0000000  }
0x3: {  	_ = 	snop  }
0x4: {  	_ = 	snop  }
0x5: {  	_ = 	snop  }
0x6: {  	_ = 	snop  }
0x7: {  	_ = 	snop  }
__scs_overlays_trampoline_lowered:
0x8: {  	[smem:$0x3FA8] =	sst s0  }
0x9: {  	[smem:$0x3FA9] =	sst s1  }
0xa: {  	[smem:$0x3FAA] =	sst s2  }
0xb: {  	[smem:$0x3FAB] =	sst s3  }
0xc: {  	[smem:$0x3FAC] =	sst s4  }
0xd: {  	[smem:$0x3FAD] =	sst s5  }
0xe: {  	[smem:$0x3FAE] =	sst s6  }
0xf: {  	[smem:$0x3FAF] =	sst s7  }
0x10: {  	[smem:$0x3FB0] =	sst s8  }
0x11: {  	[smem:$0x3FB1] =	sst s9;
	s0 =	simm.s32 @!p0 $0x0  }
0x12: {  	s1 =	sld [smem:$0x3F97];
	s0 =	simm.s32 @p0 $0x1  }
0x13: {  	[smem:$0x3FB2] =	sst s0;
	s0 =	simm.s32 @!p1 $0x0  }
0x14: {  	s2 =	sld [smem:$0x3F96];
	s0 =	simm.s32 @p1 $0x1  }
0x15: {  	[smem:$0x3FB3] =	sst s0;
	s0 =	simm.s32 @!p2 $0x0  }
0x16: {  	s3 =	sld [smem:$0x3FDB];
	s0 =	simm.s32 @p2 $0x1  }
0x17: {  	s4 =	simm.s32 $0x1BF5;
	[smem:$0x3FB5] =	sst s0  }
0x18: {  	s0 =	sld [smem:$0x3F98];
	_ =	swait.ge [sflag:s4], $0x0  }
0x19: {  	s7 =	sld [smem:$0x3F99]  }
0x1a: {  	s8 =	sadd.s32 $0xFFFFE003, lr  }
0x1b: {  	s9 =	sadd.s32 $0xFFFFFEF7, lr;
	s5 =	simm.s32 $0xFFFFFFFF;
	p2 =	slt.u32 s8, $0xFFFFF086  }
0x1c: {  	p1 =	slt.u32 s9, $0xF7A;
	s5 =	simm.s32 @!p2 $0x0  }
0x1d: {  	s5 =	simm.s32 @p1 $0x1;
	p0 =	seq.s32 s7, s2  }
0x1e: {  	s7 =	smul.u32 @!p0 $0xF7A, s2;
	p2 =	seq.s32 @!p0 s5, $0x0  }
0x1f: {  	s9 =	smul.u32 $0xF7A, s1;
	s8 =	simm.s32 @!p0 $0x1BF5;
	p2 =	por !p2, p0  }
0x20: {  	[sflag:s8] =	ssyncset.s32 @!p0 $0xFFFFF086;
	s6 =	sadd.s32 @!p0 s3, s7;
	s7 =	simm.s32 @!p0 $0x108  }
0x21: {  	s3 =	sadd.s32 s3, s9;
	s6 =	sadd.s32 @!p0 $0x88, s6;
	s7 =	simm.s32 @p2 $0x1082  }
0x22: {  	[simem:s7], [sflag:s8] =	dma.local @!p0 [hbm:s6], $0xF7A  }
0x23: {  	s9 =	sor.u32 $0xD0000000, s2;
	s6 =	simm.s32 $0x108;
	_ =	swait.ge @!p0 [sflag:s8], $0x0  }
0x24: {  	s3 =	sadd.s32 $0x88, s3;
	s6 =	simm.s32 @!p1 $0x1082;
	[sflag:s4] =	ssyncset.s32 $0xFFFFF086  }
0x25: {  	[simem:s6], [sflag:s4] =	dma.local [hbm:s3], $0xF7A  }
0x26: {  	[smem:$0x3F99] =	sst s1;
	(tag) =	ssettag s2;
	_ =	strace s9  }
0x27: {  	s1 =	sld [smem:$0x3FA9]  }
0x28: {  	s2 =	sld [smem:$0x3FAA]  }
0x29: {  	s4 =	sld [smem:$0x3FAC]  }
0x2a: {  	p0 =	seq.s32 s5, $0x0;
	s5 =	sld [smem:$0x3FAD]  }
0x2b: {  	s6 =	sld [smem:$0x3FAE]  }
0x2c: {  	s7 =	sld [smem:$0x3FAF]  }
0x2d: {  	s3 =	simm.s32 $0x108;
	s8 =	sld [smem:$0x3FB0]  }
0x2e: {  	s3 =	simm.s32 @!p0 $0x1082;
	s9 =	sld [smem:$0x3FB1]  }
0x2f: {  	lr =	sadd.s32 s0, s3;
	s0 =	sld [smem:$0x3FA8]  }
0x30: {  	s3 =	sld [smem:$0x3FAB]  }
0x31: {  	[smem:$0x3FB4] =	sst s10  }
0x32: {  	s10 =	sld [smem:$0x3FB2];
	_ =	sdelay $0x3  }
0x33: {  	p0 =	seq.s32 s10, $0x1;
	s10 =	sld [smem:$0x3FB4];
	_ =	sdelay $0x3  }
0x34: {  	[smem:$0x3FB4] =	sst s10  }
0x35: {  	s10 =	sld [smem:$0x3FB3];
	_ =	sdelay $0x3  }
0x36: {  	p1 =	seq.s32 s10, $0x1;
	s10 =	sld [smem:$0x3FB4];
	_ =	sdelay $0x3  }
0x37: {  	[smem:$0x3FB4] =	sst s10  }
0x38: {  	s10 =	sld [smem:$0x3FB5]  }
0x39: {  	_ = 	snop;
	(pc) =	sbr.ind lr, $3  }
0x3a: {  	_ = 	snop  }
0x3b: {  	_ = 	snop  }
0x3c: {  	p2 =	seq.s32 s10, $0x1;
	s10 =	sld [smem:$0x3FB4]  }
0x3d: {  	_ =	shalt  }
0x3e: {  	_ =	shalt  }
0x3f: {  	_ =	shalt  }
0x40: {  	_ =	shalt  }
0x41: {  	_ =	shalt  }
0x42: {  	_ =	shalt  }
0x43: {  	_ =	shalt  }
0x44: {  	_ =	shalt  }
0x45: {  	_ =	shalt  }
0x46: {  	_ =	shalt  }
0x47: {  	_ =	shalt  }
0x48: {  	_ =	shalt  }
0x49: {  	_ =	shalt  }
0x4a: {  	_ =	shalt  }
0x4b: {  	_ =	shalt  }
0x4c: {  	_ =	shalt  }
0x4d: {  	_ =	shalt  }
0x4e: {  	_ =	shalt  }
0x4f: {  	_ =	shalt  }
0x50: {  	_ =	shalt  }
0x51: {  	_ =	shalt  }
0x52: {  	_ =	shalt  }
0x53: {  	_ =	shalt  }
0x54: {  	_ =	shalt  }
0x55: {  	_ =	shalt  }
0x56: {  	_ =	shalt  }
0x57: {  	_ =	shalt  }
0x58: {  	_ =	shalt  }
0x59: {  	_ =	shalt  }
0x5a: {  	_ =	shalt  }
0x5b: {  	_ =	shalt  }
0x5c: {  	_ =	shalt  }
0x5d: {  	_ =	shalt  }
0x5e: {  	_ =	shalt  }
0x5f: {  	_ =	shalt  }
0x60: {  	_ =	shalt  }
0x61: {  	_ =	shalt  }
0x62: {  	_ =	shalt  }
0x63: {  	_ =	shalt  }
0x64: {  	_ =	shalt  }
0x65: {  	_ =	shalt  }
0x66: {  	_ =	shalt  }
0x67: {  	_ =	shalt  }
0x68: {  	_ =	shalt  }
0x69: {  	_ =	shalt  }
0x6a: {  	_ =	shalt  }
0x6b: {  	_ =	shalt  }
0x6c: {  	_ =	shalt  }
0x6d: {  	_ =	shalt  }
0x6e: {  	_ =	shalt  }
0x6f: {  	_ =	shalt  }
0x70: {  	_ =	shalt  }
0x71: {  	_ =	shalt  }
0x72: {  	_ =	shalt  }
0x73: {  	_ =	shalt  }
0x74: {  	_ =	shalt  }
0x75: {  	_ =	shalt  }
0x76: {  	_ =	shalt  }
0x77: {  	_ =	shalt  }
0x78: {  	_ =	shalt  }
0x79: {  	_ =	shalt  }
0x7a: {  	_ =	shalt  }
0x7b: {  	_ =	shalt  }
0x7c: {  	_ =	shalt  }
0x7d: {  	_ =	shalt  }
0x7e: {  	_ =	shalt  }
0x7f: {  	_ =	shalt  }
0x80: {  	_ =	shalt  }
0x81: {  	_ =	shalt  }
0x82: {  	_ =	shalt  }
0x83: {  	_ =	shalt  }
0x84: {  	_ =	shalt  }
0x85: {  	_ =	shalt  }
0x86: {  	_ =	shalt  }
0x87: {  	_ =	shalt  }
.Lfunc_end0:
.L_simem_size_0:
called_computation_lowered:
.L_overlay_start_0:
0x88: {  	s2 =	sld [smem:$0x3FD9]  }
0x89: {  	s3 =	sld [smem:$0x3FFE];
	_ =	sdelay $0x1  }
0x8a: {  	s1 =	srdreg.scid  }
0x8b: {  	s0 =	sand.u32 $0x1, s1  }
0x8c: {  	s17 =	sshll.u32 s0, $0xA;
	s2 =	sadd.s32 s3, s2  }
0x8d: {  	s2 =	sadd.s32 s2, s17  }
0x8e: {  	[smem:$0x3FC0] =	sst s2  }
0x8f: {  	_ = 	snop  }
0x90: {  	s2 =	sld [smem:$0x3FD0];
	(tm) =	ssettm $0x1  }
0x91: {  	s18 =	sld [smem:$0x3FFB];
	_ =	sdelay $0x3  }
0x92: {  	_ =	strace s18  }
0x93: {  	s3 =	sld [smem:$0x3FFC];
	_ =	sdelay $0x3  }
0x94: {  	_ =	strace s3  }
0x95: {  	s3 =	sld [smem:$0x3FFD];
	_ =	sdelay $0x3  }
0x96: {  	_ =	strace s3  }
0x97: {  	_ =	strace $0x8FFFFFFF  }
0x98: {  	s19 =	sld [smem:$0x3FDB];
	_ =	sdelay $0x1  }
0x99: {  	s4 =	simm.s32 $_scs_section_size  }
0x9a: {  	s5 =	simm.s32 $_size__tile_overlayer_lowered;
	s6 =	simm.s32 $_tile_overlayer_lowered  }
0x9b: {  	s22 =	simm.s32 $0x1BFF;
	s21 =	sshll.u32 s6, $0x1;
	s3 =	sadd.s32 s4, s19  }
0x9c: {  	s7 =	simm.s32 $0x0;
	s20 =	sshll.u32 s5, $0x1;
	s5 =	sadd.s32 s21, s3  }
0x9d: {  	[timem:s7], [sflag:s22] =	dma.local [hbm:s5], s20  }
0x9e: {  	_ =	swait.ge [sflag:s22], s20  }
0x9f: {  	s4 =	ssub.s32 $0x0, s20;
	[sflag:s22] =	ssyncset.done $0x0  }
0xa0: {  	[sflag:s22] =	ssyncadd.s32 s4;
	_ =	sdelay $0x1  }
0xa1: {  	s23 =	simm.s32 $0x1B8B  }
0xa2: {  	_ =	swait.ge [sflag:s23], $0x1  }
0xa3: {  	[sflag:s23] =	ssyncset.done $0x0  }
0xa4: {  	s25 =	simm.s32 $0x1B8E;
	s24 =	sld [smem:$0x3FFE];
	[sflag:s23] =	ssyncadd.s32 $0xFFFFFFFF  }
0xa5: {  	s26 =	simm.s32 $execute0_lowered;
	[smem:$0x3FD2] =	sst s25  }
0xa6: {  	s5 =	sshll.u32 s26, $0x1;
	_ =	strace $0x80000046;
	[dreg:$0x1] =	wrdreg $0xFFFFFFFF  }
0xa7: {  	s28 =	simm.s32 $_size_execute0_lowered;
	s3 =	sadd.s32 s3, s5;
	[dreg:$0x0] =	wrdreg $0x0  }
0xa8: {  	s5 =	sshll.u32 s28, $0x1;
	[dreg:$0x2] =	wrdreg s3  }
0xa9: {  	[dreg:$0x3] =	wrdreg s5  }
0xaa: {  	[dreg:$0x4] =	wrdreg $0xC0  }
0xab: {  	_ =	task [dreg:s7], $0x5FFFF  }
0xac: {  	[dreg:$0x1] =	wrdreg $0xFFFFFFFF  }
0xad: {  	[dreg:$0x0] =	wrdreg $0x60  }
0xae: {  	[dreg:$0x2] =	wrdreg s24  }
0xaf: {  	[dreg:$0x3] =	wrdreg s2  }
0xb0: {  	[dreg:$0x4] =	wrdreg $0x9  }
0xb1: {  	_ =	task.clear_ibuf [dreg:s7], $0x5FFFF;
	_ =	strace $0x90000046  }
0xb2: {  	s29 =	simm.s32 $0x9;
	_ =	strace $0x80000048  }
0xb3: {  	_ =	swait.ge [sflag:s29], $0x1  }
0xb4: {  	[sflag:s29] =	ssyncadd.s32 $0xFFFFFFFF  }
0xb5: {  	_ =	strace $0x90000048  }
0xb6: {  	_ =	sfence  }
0xb7: {  	s30 =	sld [smem:$0x0];
	_ =	sdelay $0x2  }
0xb8: {  	s31 =	sshll.u32 s1, $0xD;
	s1 =	sshrl.u32 s1, $0x2  }
0xb9: {  	s3 =	sand.u32 $0x4000, s31;
	s1 =	sadd.s32 s1, s30  }
0xba: {  	s0 =	sor.u32 s3, s0;
	s1 =	sshll.u32 s1, $0x11  }
0xbb: {  	s0 =	sor.u32 s1, s0  }
0xbc: {  	s0 =	sadd.s32 $0x8F2B, s0  }
0xbd: {  	[sflag:s0] =	ssyncadd.remote.s32 $0x1  }
0xbe: {  	_ =	sfence.sel $0xFFFF  }
0xbf: {  	[dreg:$0x0] =	wrdreg $0xFFFFFFFF;
	(pc) =	sbr.abs _section_cstart, $3  }
0xc0: {  	[dreg:$0x1] =	wrdreg $0xFFFFFFFF  }
0xc1: {  	_ =	task.clear_ibuf [dreg:s7], $0x2FFFF;
	_ =	strace $0x9FFFFFFF  }
0xc2: {  	(tm) =	ssettm $0x7FFFFFFF  }
0xc3: {  	_ =	shalt  }
tec
execute0_lowered:
.L_overlay_start_1:
0x0: {  	(tag) =	ssettag $0x1  }
0x1: {  	s0 =	rddreg [dreg:$0x0]  }
0x2: {  	s1 =	rddreg [dreg:$0x1]  }
0x3: {  	s2 =	simm.s32 $0x0;
	s17 =	srdreg.scid;
	s3 =	stileid.u32  }
0x4: {  	s31 =	simm.s32 $0x80;
	s28 =	simm.s32 $0xB000;
	s29 =	simm.s32 $0xD000  }
0x5: {  	s30 =	simm.s32 $0xF000;
	[smem:$0x7FF] =	sst s2;
	s4 =	sadd.s32 $0xF43400, s0  }
0x6: {  	s5 =	sadd.s32 $0x187C00, s0;
	s6 =	sadd.s32 $0xC4600, s0;
	s7 =	sadd.s32 $0x1000, s0  }
0x7: {  	s2 =	sand.u32 $0x1, s17;
	s9 =	sadd.s32 $0x296200, s0;
	s14 =	sadd.s32 $0x27D200, s0  }
0x8: {  	s3 =	sshll.u32 s3, $0x1;
	s15 =	sadd.s32 $0x264200, s0;
	s16 =	sadd.s32 $0x24B200, s0  }
0x9: {  	s17 =	simm.s32 $0x3;
	_ =	strace $0x80000047;
	[dreg:$0x3] =	wrdreg s9  }
0xa: {  	s3 =	sor.u32 s2, s3;
	s2 =	ssub.s32 $0x2, s2;
	[dreg:$0x4] =	wrdreg s14  }
0xb: {  	s10 =	smov.u32 s15;
	s8 =	smul.u32 $0xC80, s3;
	s12 =	sshrl.u32 s2, $0x1  }
0xc: {  	s11 =	smov.u32 s16;
	s13 =	smul.u32 $0x6400, s3;
	s18 =	ssub.s32 s2, s12  }
0xd: {  	s12 =	smul.u32 $0xC8, s3;
	s3 =	simm.s32 $0x7000;
	s19 =	sadd.s32 s9, s8  }
0xe: {  	s20 =	sshrl.u32 s13, $0x3;
	s21 =	sadd.s32 s14, s8;
	[dreg:$0x5] =	wrdreg s19  }
0xf: {  	s22 =	sadd.s32 s15, s8;
	s23 =	sadd.s32 s16, s8;
	[dreg:$0x6] =	wrdreg s21  }
0x10: {  	s0 =	smax.u32 s18, $0x1;
	s13 =	simm.s32 $0x13000;
	[dreg:$0x7] =	wrdreg s22  }
0x11: {  	s18 =	simm.s32 $0x17000;
	s2 =	sadd.s32 $0x140, s20;
	[dreg:$0x8] =	wrdreg s23  }
0x12: {  	v0 =	vlaneseq.u32;
	[dreg:$0xd] =	wrdreg s0;
	s0 =	simm.s32 $0x5000;
	s24 =	sadd.s32 s9, s2  }
0x13: {  	v0 =	vmul.u32 $0x40, v0;
	s23 =	simm.s32 $0x11000;
	s25 =	sadd.s32 s14, s2;
	[dreg:$0x9] =	wrdreg s24  }
0x14: {  	s26 =	sadd.s32 s15, s2;
	s2 =	sadd.s32 s16, s2;
	[dreg:$0xa] =	wrdreg s25  }
0x15: {  	v1 =	vor.u32 $0x400, v0;
	s14 =	simm.s32 $0x400;
	s15 =	simm.s32 $0x20000;
	[dreg:$0xb] =	wrdreg s26  }
0x16: {  	v2 =	vor.u32 $0x800, v0;
	v3 =	vor.u32 $0xC00, v0;
	v4 =	vor.u32 $0x1000, v0;
	s16 =	simm.s32 $0x15000;
	s9 =	simm.s32 $0x0;
	[dreg:$0xc] =	wrdreg s2  }
0x17: {  	v5 =	vor.u32 $0x1400, v0;
	v6 =	vor.u32 $0x1800, v0;
	v7 =	vor.u32 $0x1C00, v0;
	s26 =	simm.s32 $0x9000;
	s24 =	simm.s32 $0x1;
	s25 =	simm.s32 $0x2  }
.LBB2_1:
0x18: {  	[dreg:$0xe] =	wrdreg s9  }
0x19: {  	s2 =	simm.s32 $0x0;
	s8 =	rddreg [dreg:$0x5];
	s9 =	simm.s32 $0x6  }
0x1a: {  	[tilespmem:s2], [sflag:$0x6] =	stream.linear.gather [hbm4b:s8+s2], $0xA00, $0x38;
	[tilespmem:$0x19000] =	vst v63  }
0x1b: {  	_ =	swait.ge [sflag:s9], $0xA00  }
0x1c: {  	[sflag:s9] =	ssyncset.done $0x0  }
0x1d: {  	s19 =	simm.s32 $0x1400;
	s20 =	rddreg [dreg:$0x6];
	[sflag:s9] =	ssyncadd.s32 $0xFFFFF600  }
0x1e: {  	[tilespmem:s19], [sflag:$0x6] =	stream.linear.gather [hbm4b:s20+s2], $0xA00, $0x38;
	[tilespmem:$0x19000] =	vst v63  }
0x1f: {  	_ =	swait.ge [sflag:s9], $0xA00  }
0x20: {  	[sflag:s9] =	ssyncset.done $0x0  }
0x21: {  	s20 =	simm.s32 $0x2800;
	s21 =	rddreg [dreg:$0x7];
	[sflag:s9] =	ssyncadd.s32 $0xFFFFF600  }
0x22: {  	[tilespmem:s20], [sflag:$0x6] =	stream.linear.gather [hbm4b:s21+s2], $0xA00, $0x38;
	[tilespmem:$0x19000] =	vst v63  }
0x23: {  	_ =	swait.ge [sflag:s9], $0xA00  }
0x24: {  	[sflag:s9] =	ssyncset.done $0x0  }
0x25: {  	s21 =	simm.s32 $0x3C00;
	s22 =	rddreg [dreg:$0x8];
	[sflag:s9] =	ssyncadd.s32 $0xFFFFF600  }
0x26: {  	[tilespmem:s21], [sflag:$0x6] =	stream.linear.gather [hbm4b:s22+s2], $0xA00, $0x38;
	[tilespmem:$0x19000] =	vst v63  }
0x27: {  	_ =	swait.ge [sflag:s9], $0xA00  }
0x28: {  	[sflag:s9] =	ssyncset.done $0x0  }
0x29: {  	s22 =	simm.s32 $0xA00;
	[sflag:s9] =	ssyncadd.s32 $0xFFFFF600;
	s9 =	rddreg [dreg:$0x9]  }
0x2a: {  	[tilespmem:s22], [sflag:$0x1] =	stream.linear.gather [hbm4b:s9+s2], $0xA00, $0x38;
	[tilespmem:$0x19000] =	vst v63  }
0x2b: {  	s9 =	rddreg [dreg:$0xa];
	s22 =	simm.s32 $0x1E00  }
0x2c: {  	[tilespmem:s22], [sflag:$0x1] =	stream.linear.gather [hbm4b:s9+s2], $0xA00, $0x38;
	[tilespmem:$0x19000] =	vst v63  }
0x2d: {  	s9 =	rddreg [dreg:$0xb];
	s22 =	simm.s32 $0x3200  }
0x2e: {  	[tilespmem:s22], [sflag:$0x1] =	stream.linear.gather [hbm4b:s9+s2], $0xA00, $0x38;
	[tilespmem:$0x19000] =	vst v63  }
0x2f: {  	s9 =	rddreg [dreg:$0xc];
	s22 =	simm.s32 $0x4600  }
0x30: {  	[tilespmem:s22], [sflag:$0x1] =	stream.linear.gather [hbm4b:s9+s2], $0xA00, $0x38;
	[tilespmem:$0x19000] =	vst v63  }
0x31: {  	_ = 	snop  }
0x32: {  	[tilespmem:s0], [sflag:$0x2] =	stream.indirect.gather [hbm4b:s4+s31], $0x40, s2, s31, $0xb8;
	[tilespmem:$0x19000] =	vst v63  }
0x33: {  	_ = 	snop  }
0x34: {  	[tilespmem:s3], [sflag:$0x2] =	stream.indirect.gather [hbm4b:s5+s31], $0x40, s19, s31, $0xb8;
	[tilespmem:$0x19000] =	vst v63  }
0x35: {  	_ = 	snop  }
0x36: {  	[tilespmem:s26], [sflag:$0x2] =	stream.indirect.gather [hbm4b:s6+s31], $0x40, s20, s31, $0xb8;
	[tilespmem:$0x19000] =	vst v63  }
0x37: {  	s19 =	simm.s32 $0x0  }
0x38: {  	[tilespmem:s28], [sflag:$0x2] =	stream.indirect.gather [hbm4b:s7+s31], $0x40, s21, s31, $0xb8;
	[tilespmem:$0x19000] =	vst v63  }
.LBB2_2:
0x39: {  	s2 =	smul.u32 $0xCD, s19;
	_ =	sdelay $0x1  }
0x3a: {  	s8 =	sshrl.u32 s2, $0xB  }
0x3b: {  	s2 =	sand.u32 $0x1F, s8  }
0x3c: {  	s8 =	sand.u32 $0x1, s8;
	s21 =	smul.u32 $0xFFFFFFEC, s2  }
0x3d: {  	s20 =	sshll.u32 s19, $0x1;
	s22 =	simm.s32 $0x14;
	p0 =	seq.s32 s8, $0x1  }
0x3e: {  	s22 =	simm.s32 @!p0 $0x0;
	s8 =	sadd.s32 s20, s21  }
0x3f: {  	s21 =	sadd.s32 s22, s8  }
0x40: {  	s21 =	sshll.u32 s21, $0x9  }
0x41: {  	p0 =	seq.s32 s19, $0x63;
	s21 =	sshra.s32 s21, $0x2  }
0x42: {  	p1 =	sne.s32 @!p0 s8, $0x12;
	s9 =	sor.u32 $0x80, s21  }
0x43: {  	[tilespmem:s29], [sflag:$0x3] =	stream.indirect.gather [hbm4b:s4+s31], $0x40, s9, s31, $0xb8;
	[tilespmem:$0x19000] =	vst v63  }
0x44: {  	p1 =	por p0, p1;
	s9 =	sadd.s32 $0x1480, s21  }
0x45: {  	[tilespmem:s30], [sflag:$0x3] =	stream.indirect.gather [hbm4b:s5+s31], $0x40, s9, s31, $0xb8;
	[tilespmem:$0x19000] =	vst v63  }
.Ltmp0:
0x46: {  	_ = 	snop;
	(pc) =	sbr.rel @p1 .LBB2_4-.Ltmp0, $4  }
0x47: {  	s9 =	sadd.s32 $0x2880, s21  }
0x48: {  	[tilespmem:s23], [sflag:$0x3] =	stream.indirect.gather [hbm4b:s6+s31], $0x40, s9, s31, $0xb8;
	[tilespmem:$0x19000] =	vst v63  }
0x49: {  	s21 =	sadd.s32 $0x3C80, s21  }
0x4a: {  	[tilespmem:s13], [sflag:$0x3] =	stream.indirect.gather [hbm4b:s7+s31], $0x40, s21, s31, $0xb8;
	[tilespmem:$0x19000] =	vst v63  }
0x4b: {  	_ =	swait.ge [sflag:s24], $0xA00  }
0x4c: {  	[sflag:s24] =	ssyncset.done $0x0  }
0x4d: {  	[sflag:s24] =	ssyncadd.s32 $0xFFFFF600  }
0x4e: {  	_ =	swait.ge [sflag:s24], $0xA00  }
0x4f: {  	[sflag:s24] =	ssyncset.done $0x0  }
0x50: {  	[sflag:s24] =	ssyncadd.s32 $0xFFFFF600  }
0x51: {  	_ =	swait.ge [sflag:s24], $0xA00  }
.Ltmp1:
0x52: {  	[sflag:s24] =	ssyncset.done $0x0;
	(pc) =	sbr.rel .LBB2_5-.Ltmp1, $4  }
0x53: {  	[sflag:s24] =	ssyncadd.s32 $0xFFFFF600  }
0x54: {  	_ =	swait.ge [sflag:s24], $0xA00  }
0x55: {  	[sflag:s24] =	ssyncset.done $0x0  }
0x56: {  	[sflag:s24] =	ssyncadd.s32 $0xFFFFF600  }
.LBB2_4:
0x57: {  	s21 =	sadd.s32 $0xFFFFFFEC, s20  }
0x58: {  	p2 =	sgt.u32 s21, $0x9F  }
0x59: {  	p3 =	sne.s32 @!p2 s8, $0x0  }
0x5a: {  	p1 =	por p3, p2  }
0x5b: {  	s2 =	sadd.s32 @!p1 $0x1, s2  }
0x5c: {  	s8 =	smul.u32 @!p1 $0x14, s2  }
0x5d: {  	s2 =	sand.u32 @!p1 $0x1, s2  }
0x5e: {  	s9 =	rddreg [dreg:$0x3];
	p4 =	seq.s32 @!p1 s2, $0x1;
	s2 =	sadd.s32 @!p1 s12, s8  }
0x5f: {  	s22 =	simm.s32 @!p1 $0x0;
	p3 =	por @!p2 !p4, p3;
	s2 =	sshll.u32 @!p1 s2, $0x4  }
0x60: {  	s8 =	simm.s32 @!p1 $0xA00;
	p2 =	por !p3, p2;
	s2 =	sand.u32 @!p1 $0x3FFC0, s2  }
0x61: {  	s8 =	simm.s32 @!p2 $0x0;
	s21 =	sadd.s32 @!p1 s9, s2;
	s9 =	rddreg [dreg:$0x4]  }
0x62: {  	[tilespmem:s8], [sflag:$0x1] =	stream.linear.gather @!p1 [hbm4b:s21+s22], $0xA00, $0x38;
	[tilespmem:$0x19000] =	vst v63  }
0x63: {  	s21 =	sor.u32 @!p1 $0x1400, s8;
	s9 =	sadd.s32 @!p1 s9, s2  }
0x64: {  	[tilespmem:s21], [sflag:$0x1] =	stream.linear.gather @!p1 [hbm4b:s9+s22], $0xA00, $0x38;
	[tilespmem:$0x19000] =	vst v63  }
0x65: {  	s9 =	sadd.s32 @!p1 $0x2800, s8;
	s21 =	sadd.s32 @!p1 s10, s2  }
0x66: {  	[tilespmem:s9], [sflag:$0x1] =	stream.linear.gather @!p1 [hbm4b:s21+s22], $0xA00, $0x38;
	[tilespmem:$0x19000] =	vst v63  }
0x67: {  	s8 =	sadd.s32 @!p1 $0x3C00, s8;
	s2 =	sadd.s32 @!p1 s11, s2  }
0x68: {  	[tilespmem:s8], [sflag:$0x1] =	stream.linear.gather @!p1 [hbm4b:s2+s22], $0xA00, $0x38;
	[tilespmem:$0x19000] =	vst v63  }
.LBB2_5:
0x69: {  	_ =	swait.ge [sflag:s25], $0x2000  }
0x6a: {  	[sflag:s25] =	ssyncset.done $0x0  }
0x6b: {  	[sflag:s25] =	ssyncadd.s32 $0xFFFFE000  }
0x6c: {  	_ =	swait.ge [sflag:s25], $0x2000  }
0x6d: {  	[sflag:s25] =	ssyncset.done $0x0  }
0x6e: {  	s2 =	simm.s32 $0x0;
	[sflag:s25] =	ssyncadd.s32 $0xFFFFE000  }
0x6f: {  	v8 =	vmov s2;
	_ =	swait.ge [sflag:s25], $0x2000  }
0x70: {  	v8 =	vand.u32 $0x3F, v8;
	[sflag:s25] =	ssyncset.done $0x0  }
0x71: {  	v8 =	vbroadcast v8, $0x0;
	[sflag:s25] =	ssyncadd.s32 $0xFFFFE000  }
0x72: {  	_ =	swait.ge [sflag:s25], $0x2000  }
0x73: {  	p1 =	seq.s32 s19, $0x0;
	v9 =	vor.u32 v0, v8;
	[sflag:s25] =	ssyncset.done $0x0  }
0x74: {  	s2 =	simm.s32 @!p1 $0x4;
	[sflag:s25] =	ssyncadd.s32 $0xFFFFE000  }
0x75: {  	_ =	swait.ge @!p1 [sflag:s2], $0x2000  }
0x76: {  	[sflag:s2] =	ssyncset.done @!p1 $0x0  }
0x77: {  	[sflag:s2] =	ssyncadd.s32 @!p1 $0xFFFFE000  }
0x78: {  	v10 =	vld.idx.msk [tilespmem:v9+s28+$0x0], $0xffff  }
0x79: {  	v11 =	vld.idx.msk [tilespmem:v9+s0+$0x0], $0xffff  }
0x7a: {  	v12 =	vld.idx.msk [tilespmem:v9+s26+$0x0], $0xffff  }
0x7b: {  	v9 =	vld.idx.msk [tilespmem:v9+s3+$0x0], $0xffff;
	_ =	sdelay $0x4  }
0x7c: {  	v10 =	vadd.f32 v10, v12;
	v9 =	vadd.f32 v9, v11;
	v11 =	vor.u32 v1, v8;
	_ =	sdelay $0x1  }
0x7d: {  	v9 =	vadd.f32 v10, v9  }
0x7e: {  	s2 =	simm.s32 $0x15040  }
0x7f: {  	[tilespmem:s2+$0xFFFFFFC0] =	vst v9  }
0x80: {  	v9 =	vld.idx.msk [tilespmem:v11+s26+$0x0], $0xffff  }
0x81: {  	v10 =	vld.idx.msk [tilespmem:v11+s3+$0x0], $0xffff  }
0x82: {  	v12 =	vld.idx.msk [tilespmem:v11+s0+$0x0], $0xffff  }
0x83: {  	v11 =	vld.idx.msk [tilespmem:v11+s28+$0x0], $0xffff;
	_ =	sdelay $0x4  }
0x84: {  	v10 =	vadd.f32 v10, v12;
	v9 =	vadd.f32 v11, v9;
	v11 =	vor.u32 v2, v8;
	_ =	sdelay $0x1  }
0x85: {  	v9 =	vadd.f32 v9, v10;
	_ =	sdelay $0x1  }
0x86: {  	[tilespmem:s2+$0xFFFFFFD0] =	vst v9  }
0x87: {  	v9 =	vld.idx.msk [tilespmem:v11+s28+$0x0], $0xffff  }
0x88: {  	v10 =	vld.idx.msk [tilespmem:v11+s3+$0x0], $0xffff  }
0x89: {  	v12 =	vld.idx.msk [tilespmem:v11+s0+$0x0], $0xffff  }
0x8a: {  	v11 =	vld.idx.msk [tilespmem:v11+s26+$0x0], $0xffff;
	_ =	sdelay $0x4  }
0x8b: {  	v10 =	vadd.f32 v10, v12;
	v9 =	vadd.f32 v9, v11;
	v11 =	vor.u32 v3, v8;
	_ =	sdelay $0x1  }
0x8c: {  	v9 =	vadd.f32 v9, v10;
	_ =	sdelay $0x1  }
0x8d: {  	[tilespmem:s2+$0xFFFFFFE0] =	vst v9  }
0x8e: {  	v9 =	vld.idx.msk [tilespmem:v11+s28+$0x0], $0xffff  }
0x8f: {  	v10 =	vld.idx.msk [tilespmem:v11+s0+$0x0], $0xffff  }
0x90: {  	v12 =	vld.idx.msk [tilespmem:v11+s3+$0x0], $0xffff  }
0x91: {  	v11 =	vld.idx.msk [tilespmem:v11+s26+$0x0], $0xffff;
	_ =	sdelay $0x4  }
0x92: {  	v10 =	vadd.f32 v12, v10;
	v9 =	vadd.f32 v9, v11;
	v11 =	vor.u32 v4, v8;
	_ =	sdelay $0x1  }
0x93: {  	v9 =	vadd.f32 v9, v10;
	_ =	sdelay $0x1  }
0x94: {  	[tilespmem:s2+$0xFFFFFFF0] =	vst v9  }
0x95: {  	v9 =	vld.idx.msk [tilespmem:v11+s3+$0x0], $0xffff  }
0x96: {  	v10 =	vld.idx.msk [tilespmem:v11+s28+$0x0], $0xffff  }
0x97: {  	v12 =	vld.idx.msk [tilespmem:v11+s26+$0x0], $0xffff  }
0x98: {  	v11 =	vld.idx.msk [tilespmem:v11+s0+$0x0], $0xffff;
	_ =	sdelay $0x4  }
0x99: {  	v10 =	vadd.f32 v10, v12;
	v9 =	vadd.f32 v9, v11;
	v11 =	vor.u32 v5, v8;
	_ =	sdelay $0x1  }
0x9a: {  	v9 =	vadd.f32 v10, v9;
	_ =	sdelay $0x1  }
0x9b: {  	[tilespmem:s2+$0x0] =	vst v9  }
0x9c: {  	v9 =	vld.idx.msk [tilespmem:v11+s0+$0x0], $0xffff  }
0x9d: {  	v10 =	vld.idx.msk [tilespmem:v11+s26+$0x0], $0xffff  }
0x9e: {  	v12 =	vld.idx.msk [tilespmem:v11+s3+$0x0], $0xffff  }
0x9f: {  	v11 =	vld.idx.msk [tilespmem:v11+s28+$0x0], $0xffff;
	_ =	sdelay $0x3  }
0xa0: {  	s8 =	sadd.s32 $0x2, s20  }
0xa1: {  	s9 =	sand.u32 $0xFE, s8;
	v12 =	vadd.f32 v12, v9;
	v10 =	vadd.f32 v11, v10;
	v9 =	vor.u32 v6, v8  }
0xa2: {  	s9 =	smul.u32 $0xCD, s9  }
0xa3: {  	v10 =	vadd.f32 v10, v12  }
0xa4: {  	s9 =	sshrl.u32 s9, $0xC  }
0xa5: {  	s21 =	sand.u32 $0x1, s9;
	s9 =	smul.u32 $0x7FFFEC, s9;
	[tilespmem:s2+$0x10] =	vst v10  }
0xa6: {  	p2 =	seq.s32 s21, $0x1;
	s21 =	simm.s32 $0x14;
	v10 =	vld.idx.msk [tilespmem:v9+s28+$0x0], $0xffff  }
0xa7: {  	s21 =	simm.s32 @!p2 $0x0;
	s8 =	sadd.s32 s8, s9;
	v11 =	vld.idx.msk [tilespmem:v9+s3+$0x0], $0xffff  }
0xa8: {  	s22 =	sadd.s32 s21, s8;
	s8 =	simm.s32 $0x1;
	s21 =	simm.s32 $0x15040;
	v12 =	vld.idx.msk [tilespmem:v9+s0+$0x0], $0xffff  }
.LBB2_6:
0xa9: {  	p2 =	sne.s32 s8, $0x3F  }
0xaa: {  	v9 =	vld.idx.msk [tilespmem:v9+s26+$0x0], $0xffff;
	s2 =	sadd.s32 $0x80, s2;
	s9 =	smov.u32 s8;
	s8 =	sadd.s32 $0x1, s8  }
0xab: {  	_ =	sdelay $0x3  }
0xac: {  	v11 =	vadd.f32 v11, v12  }
0xad: {  	v8 =	vor.u32 v7, v8;
	v9 =	vadd.f32 v10, v9;
	_ =	sdelay $0x1  }
0xae: {  	v9 =	vadd.f32 v9, v11;
	_ =	sdelay $0x1  }
0xaf: {  	[tilespmem:s21+$0x20] =	vst v9  }
0xb0: {  	v9 =	vld.idx.msk [tilespmem:v8+s0+$0x0], $0xffff  }
0xb1: {  	v10 =	vld.idx.msk [tilespmem:v8+s28+$0x0], $0xffff  }
0xb2: {  	v11 =	vld.idx.msk [tilespmem:v8+s3+$0x0], $0xffff  }
0xb3: {  	v12 =	vld.idx.msk [tilespmem:v8+s26+$0x0], $0xffff;
	_ =	sdelay $0x1  }
0xb4: {  	v8 =	vmov s9  }
0xb5: {  	v8 =	vand.u32 $0x3F, v8  }
0xb6: {  	v8 =	vbroadcast v8, $0x0  }
0xb7: {  	v9 =	vadd.f32 v11, v9  }
0xb8: {  	v11 =	vor.u32 v0, v8;
	v10 =	vadd.f32 v10, v12;
	_ =	sdelay $0x1  }
0xb9: {  	v9 =	vadd.f32 v10, v9;
	_ =	sdelay $0x1  }
0xba: {  	[tilespmem:s21+$0x30] =	vst v9;
	s21 =	smov.u32 s2  }
0xbb: {  	v9 =	vld.idx.msk [tilespmem:v11+s28+$0x0], $0xffff  }
0xbc: {  	v10 =	vld.idx.msk [tilespmem:v11+s0+$0x0], $0xffff  }
0xbd: {  	v12 =	vld.idx.msk [tilespmem:v11+s26+$0x0], $0xffff  }
0xbe: {  	v11 =	vld.idx.msk [tilespmem:v11+s3+$0x0], $0xffff;
	_ =	sdelay $0x4  }
0xbf: {  	v9 =	vadd.f32 v9, v12  }
0xc0: {  	v10 =	vadd.f32 v11, v10;
	v11 =	vor.u32 v1, v8;
	_ =	sdelay $0x1  }
0xc1: {  	v9 =	vadd.f32 v9, v10;
	_ =	sdelay $0x1  }
0xc2: {  	[tilespmem:s2+$0xFFFFFFC0] =	vst v9  }
0xc3: {  	v9 =	vld.idx.msk [tilespmem:v11+s26+$0x0], $0xffff  }
0xc4: {  	v10 =	vld.idx.msk [tilespmem:v11+s3+$0x0], $0xffff  }
0xc5: {  	v12 =	vld.idx.msk [tilespmem:v11+s0+$0x0], $0xffff  }
0xc6: {  	v11 =	vld.idx.msk [tilespmem:v11+s28+$0x0], $0xffff;
	_ =	sdelay $0x4  }
0xc7: {  	v10 =	vadd.f32 v10, v12  }
0xc8: {  	v9 =	vadd.f32 v11, v9;
	v11 =	vor.u32 v2, v8;
	_ =	sdelay $0x1  }
0xc9: {  	v9 =	vadd.f32 v9, v10;
	_ =	sdelay $0x1  }
0xca: {  	[tilespmem:s2+$0xFFFFFFD0] =	vst v9  }
0xcb: {  	v9 =	vld.idx.msk [tilespmem:v11+s28+$0x0], $0xffff  }
0xcc: {  	v10 =	vld.idx.msk [tilespmem:v11+s3+$0x0], $0xffff  }
0xcd: {  	v12 =	vld.idx.msk [tilespmem:v11+s0+$0x0], $0xffff  }
0xce: {  	v11 =	vld.idx.msk [tilespmem:v11+s26+$0x0], $0xffff;
	_ =	sdelay $0x4  }
0xcf: {  	v10 =	vadd.f32 v10, v12  }
0xd0: {  	v9 =	vadd.f32 v9, v11;
	v11 =	vor.u32 v3, v8;
	_ =	sdelay $0x1  }
0xd1: {  	v9 =	vadd.f32 v9, v10;
	_ =	sdelay $0x1  }
0xd2: {  	[tilespmem:s2+$0xFFFFFFE0] =	vst v9  }
0xd3: {  	v9 =	vld.idx.msk [tilespmem:v11+s28+$0x0], $0xffff  }
0xd4: {  	v10 =	vld.idx.msk [tilespmem:v11+s0+$0x0], $0xffff  }
0xd5: {  	v12 =	vld.idx.msk [tilespmem:v11+s3+$0x0], $0xffff  }
0xd6: {  	v11 =	vld.idx.msk [tilespmem:v11+s26+$0x0], $0xffff;
	_ =	sdelay $0x4  }
0xd7: {  	v10 =	vadd.f32 v12, v10  }
0xd8: {  	v9 =	vadd.f32 v9, v11;
	v11 =	vor.u32 v4, v8;
	_ =	sdelay $0x1  }
0xd9: {  	v9 =	vadd.f32 v9, v10;
	_ =	sdelay $0x1  }
0xda: {  	[tilespmem:s2+$0xFFFFFFF0] =	vst v9  }
0xdb: {  	v9 =	vld.idx.msk [tilespmem:v11+s3+$0x0], $0xffff  }
0xdc: {  	v10 =	vld.idx.msk [tilespmem:v11+s28+$0x0], $0xffff  }
0xdd: {  	v12 =	vld.idx.msk [tilespmem:v11+s26+$0x0], $0xffff  }
0xde: {  	v11 =	vld.idx.msk [tilespmem:v11+s0+$0x0], $0xffff;
	_ =	sdelay $0x4  }
0xdf: {  	v10 =	vadd.f32 v10, v12  }
0xe0: {  	v9 =	vadd.f32 v9, v11;
	v11 =	vor.u32 v5, v8;
	_ =	sdelay $0x1  }
0xe1: {  	v9 =	vadd.f32 v10, v9;
	_ =	sdelay $0x1  }
0xe2: {  	[tilespmem:s2+$0x0] =	vst v9  }
0xe3: {  	v9 =	vld.idx.msk [tilespmem:v11+s0+$0x0], $0xffff  }
0xe4: {  	v10 =	vld.idx.msk [tilespmem:v11+s26+$0x0], $0xffff  }
0xe5: {  	v12 =	vld.idx.msk [tilespmem:v11+s3+$0x0], $0xffff  }
0xe6: {  	v11 =	vld.idx.msk [tilespmem:v11+s28+$0x0], $0xffff;
	_ =	sdelay $0x4  }
0xe7: {  	v12 =	vadd.f32 v12, v9  }
0xe8: {  	v9 =	vor.u32 v6, v8;
	v10 =	vadd.f32 v11, v10;
	_ =	sdelay $0x1  }
0xe9: {  	v10 =	vadd.f32 v10, v12  }
.Ltmp2:
0xea: {  	(pc) =	sbr.rel @p2 .LBB2_6-.Ltmp2, $4  }
0xeb: {  	[tilespmem:s2+$0x10] =	vst v10  }
0xec: {  	v10 =	vld.idx.msk [tilespmem:v9+s28+$0x0], $0xffff  }
0xed: {  	v11 =	vld.idx.msk [tilespmem:v9+s3+$0x0], $0xffff  }
0xee: {  	v12 =	vld.idx.msk [tilespmem:v9+s0+$0x0], $0xffff  }
0xef: {  	_ =	sdelay $0x3  }
0xf0: {  	v9 =	vld.idx.msk [tilespmem:v9+s26+$0x0], $0xffff;
	_ =	sdelay $0x4  }
0xf1: {  	v8 =	vor.u32 v7, v8;
	v11 =	vadd.f32 v11, v12;
	v9 =	vadd.f32 v10, v9;
	_ =	sdelay $0x1  }
0xf2: {  	v9 =	vadd.f32 v9, v11;
	_ =	sdelay $0x1  }
0xf3: {  	[tilespmem:s21+$0x20] =	vst v9  }
0xf4: {  	v9 =	vld.idx.msk [tilespmem:v8+s0+$0x0], $0xffff  }
0xf5: {  	v10 =	vld.idx.msk [tilespmem:v8+s28+$0x0], $0xffff  }
0xf6: {  	v11 =	vld.idx.msk [tilespmem:v8+s3+$0x0], $0xffff  }
0xf7: {  	v8 =	vld.idx.msk [tilespmem:v8+s26+$0x0], $0xffff;
	_ =	sdelay $0x2  }
0xf8: {  	s2 =	sadd.s32 s12, s20  }
0xf9: {  	s8 =	sshrl.u32 s2, $0x7  }
0xfa: {  	s2 =	sshll.u32 s2, $0xA;
	s9 =	sshll.u32 s8, $0x11;
	v9 =	vadd.f32 v11, v9;
	v8 =	vadd.f32 v10, v8  }
0xfb: {  	s8 =	sshll.u32 s8, $0x14;
	s2 =	ssub.s32 s2, s9  }
0xfc: {  	s2 =	sadd.s32 s8, s2;
	v8 =	vadd.f32 v8, v9  }
0xfd: {  	s2 =	sshrl.u32 s2, $0x3  }
0xfe: {  	s2 =	sadd.s32 s1, s2;
	[tilespmem:s21+$0x30] =	vst v8  }
0xff: {  	[hbm4b:s2+s14] =	stream.strided.scatter [tilespmem:s16], [sflag:$0x4], $0x2000, s15, s14, $0x38;
	[tilespmem:$0x19000] =	vst v63  }
0x100: {  	s2 =	sshll.u32 @!p0 s22, $0x9  }
0x101: {  	s9 =	simm.s32 @!p0 $0x5000;
	s8 =	simm.s32 @!p0 $0x80;
	s2 =	sshra.s32 @!p0 s2, $0x2  }
0x102: {  	[tilespmem:s9], [sflag:$0x2] =	stream.indirect.gather @!p0 [hbm4b:s4+s8], $0x40, s2, s8, $0xb8;
	[tilespmem:$0x19000] =	vst v63  }
0x103: {  	s21 =	simm.s32 @!p0 $0x7000;
	s9 =	sadd.s32 @!p0 $0x1400, s2  }
0x104: {  	[tilespmem:s21], [sflag:$0x2] =	stream.indirect.gather @!p0 [hbm4b:s5+s8], $0x40, s9, s8, $0xb8;
	[tilespmem:$0x19000] =	vst v63  }
0x105: {  	s9 =	sadd.s32 @!p0 $0x2800, s2;
	s21 =	simm.s32 @!p0 $0x9000  }
0x106: {  	[tilespmem:s21], [sflag:$0x2] =	stream.indirect.gather @!p0 [hbm4b:s6+s8], $0x40, s9, s8, $0xb8;
	[tilespmem:$0x19000] =	vst v63  }
0x107: {  	s2 =	sadd.s32 @!p0 $0x3C00, s2;
	s9 =	simm.s32 @!p0 $0xB000  }
0x108: {  	[tilespmem:s9], [sflag:$0x2] =	stream.indirect.gather @!p0 [hbm4b:s7+s8], $0x40, s2, s8, $0xb8;
	[tilespmem:$0x19000] =	vst v63  }
0x109: {  	_ =	swait.ge [sflag:s17], $0x2000  }
0x10a: {  	[sflag:s17] =	ssyncset.done $0x0  }
0x10b: {  	[sflag:s17] =	ssyncadd.s32 $0xFFFFE000  }
0x10c: {  	_ =	swait.ge [sflag:s17], $0x2000  }
0x10d: {  	[sflag:s17] =	ssyncset.done $0x0  }
0x10e: {  	s22 =	simm.s32 $0x0;
	[sflag:s17] =	ssyncadd.s32 $0xFFFFE000  }
0x10f: {  	v8 =	vmov s22;
	_ =	swait.ge [sflag:s17], $0x2000  }
0x110: {  	v8 =	vand.u32 $0x3F, v8;
	[sflag:s17] =	ssyncset.done $0x0  }
0x111: {  	v8 =	vbroadcast v8, $0x0;
	[sflag:s17] =	ssyncadd.s32 $0xFFFFE000  }
0x112: {  	_ =	swait.ge [sflag:s17], $0x2000  }
0x113: {  	v9 =	vor.u32 v0, v8;
	[sflag:s17] =	ssyncset.done $0x0  }
0x114: {  	s2 =	simm.s32 @!p1 $0x5;
	[sflag:s17] =	ssyncadd.s32 $0xFFFFE000  }
0x115: {  	_ =	swait.ge @!p1 [sflag:s2], $0x2000  }
0x116: {  	[sflag:s2] =	ssyncset.done @!p1 $0x0  }
0x117: {  	[sflag:s2] =	ssyncadd.s32 @!p1 $0xFFFFE000  }
0x118: {  	v10 =	vld.idx.msk [tilespmem:v9+s13+$0x0], $0xffff  }
0x119: {  	v11 =	vld.idx.msk [tilespmem:v9+s29+$0x0], $0xffff  }
0x11a: {  	v12 =	vld.idx.msk [tilespmem:v9+s23+$0x0], $0xffff  }
0x11b: {  	v9 =	vld.idx.msk [tilespmem:v9+s30+$0x0], $0xffff;
	_ =	sdelay $0x4  }
0x11c: {  	v10 =	vadd.f32 v10, v12;
	v9 =	vadd.f32 v9, v11;
	v11 =	vor.u32 v1, v8;
	_ =	sdelay $0x1  }
0x11d: {  	v9 =	vadd.f32 v10, v9  }
0x11e: {  	s2 =	simm.s32 $0x17040  }
0x11f: {  	[tilespmem:s2+$0xFFFFFFC0] =	vst v9  }
0x120: {  	v9 =	vld.idx.msk [tilespmem:v11+s23+$0x0], $0xffff  }
0x121: {  	v10 =	vld.idx.msk [tilespmem:v11+s30+$0x0], $0xffff  }
0x122: {  	v12 =	vld.idx.msk [tilespmem:v11+s29+$0x0], $0xffff  }
0x123: {  	v11 =	vld.idx.msk [tilespmem:v11+s13+$0x0], $0xffff;
	_ =	sdelay $0x4  }
0x124: {  	v10 =	vadd.f32 v10, v12;
	v9 =	vadd.f32 v11, v9;
	v11 =	vor.u32 v2, v8;
	_ =	sdelay $0x1  }
0x125: {  	v9 =	vadd.f32 v9, v10;
	_ =	sdelay $0x1  }
0x126: {  	[tilespmem:s2+$0xFFFFFFD0] =	vst v9  }
0x127: {  	v9 =	vld.idx.msk [tilespmem:v11+s13+$0x0], $0xffff  }
0x128: {  	v10 =	vld.idx.msk [tilespmem:v11+s30+$0x0], $0xffff  }
0x129: {  	v12 =	vld.idx.msk [tilespmem:v11+s29+$0x0], $0xffff  }
0x12a: {  	v11 =	vld.idx.msk [tilespmem:v11+s23+$0x0], $0xffff;
	_ =	sdelay $0x4  }
0x12b: {  	v10 =	vadd.f32 v10, v12;
	v9 =	vadd.f32 v9, v11;
	v11 =	vor.u32 v3, v8;
	_ =	sdelay $0x1  }
0x12c: {  	v9 =	vadd.f32 v9, v10;
	_ =	sdelay $0x1  }
0x12d: {  	[tilespmem:s2+$0xFFFFFFE0] =	vst v9  }
0x12e: {  	v9 =	vld.idx.msk [tilespmem:v11+s13+$0x0], $0xffff  }
0x12f: {  	v10 =	vld.idx.msk [tilespmem:v11+s29+$0x0], $0xffff  }
0x130: {  	v12 =	vld.idx.msk [tilespmem:v11+s30+$0x0], $0xffff  }
0x131: {  	v11 =	vld.idx.msk [tilespmem:v11+s23+$0x0], $0xffff;
	_ =	sdelay $0x4  }
0x132: {  	v10 =	vadd.f32 v12, v10;
	v9 =	vadd.f32 v9, v11;
	v11 =	vor.u32 v4, v8;
	_ =	sdelay $0x1  }
0x133: {  	v9 =	vadd.f32 v9, v10;
	_ =	sdelay $0x1  }
0x134: {  	[tilespmem:s2+$0xFFFFFFF0] =	vst v9  }
0x135: {  	v9 =	vld.idx.msk [tilespmem:v11+s30+$0x0], $0xffff  }
0x136: {  	v10 =	vld.idx.msk [tilespmem:v11+s13+$0x0], $0xffff  }
0x137: {  	v12 =	vld.idx.msk [tilespmem:v11+s23+$0x0], $0xffff  }
0x138: {  	v11 =	vld.idx.msk [tilespmem:v11+s29+$0x0], $0xffff;
	_ =	sdelay $0x4  }
0x139: {  	v10 =	vadd.f32 v10, v12;
	v9 =	vadd.f32 v9, v11;
	v11 =	vor.u32 v5, v8;
	_ =	sdelay $0x1  }
0x13a: {  	v9 =	vadd.f32 v10, v9;
	_ =	sdelay $0x1  }
0x13b: {  	[tilespmem:s2+$0x0] =	vst v9  }
0x13c: {  	v9 =	vld.idx.msk [tilespmem:v11+s29+$0x0], $0xffff  }
0x13d: {  	v10 =	vld.idx.msk [tilespmem:v11+s23+$0x0], $0xffff  }
0x13e: {  	v12 =	vld.idx.msk [tilespmem:v11+s30+$0x0], $0xffff  }
0x13f: {  	v11 =	vld.idx.msk [tilespmem:v11+s13+$0x0], $0xffff;
	_ =	sdelay $0x4  }
0x140: {  	v9 =	vadd.f32 v12, v9;
	v11 =	vadd.f32 v11, v10;
	v10 =	vor.u32 v6, v8;
	_ =	sdelay $0x1  }
0x141: {  	v9 =	vadd.f32 v11, v9;
	_ =	sdelay $0x1  }
0x142: {  	[tilespmem:s2+$0x10] =	vst v9  }
0x143: {  	v9 =	vld.idx.msk [tilespmem:v10+s13+$0x0], $0xffff  }
0x144: {  	v11 =	vld.idx.msk [tilespmem:v10+s30+$0x0], $0xffff  }
0x145: {  	s22 =	simm.s32 $0x17040;
	s8 =	simm.s32 $0x1;
	v12 =	vld.idx.msk [tilespmem:v10+s29+$0x0], $0xffff  }
.LBB2_8:
0x146: {  	p0 =	sne.s32 s8, $0x3F  }
0x147: {  	v10 =	vld.idx.msk [tilespmem:v10+s23+$0x0], $0xffff;
	s2 =	sadd.s32 $0x80, s2;
	s9 =	smov.u32 s8;
	s8 =	sadd.s32 $0x1, s8  }
0x148: {  	_ =	sdelay $0x3  }
0x149: {  	v11 =	vadd.f32 v11, v12  }
0x14a: {  	v8 =	vor.u32 v7, v8;
	v9 =	vadd.f32 v9, v10;
	_ =	sdelay $0x1  }
0x14b: {  	v9 =	vadd.f32 v9, v11;
	_ =	sdelay $0x1  }
0x14c: {  	[tilespmem:s22+$0x20] =	vst v9  }
0x14d: {  	v9 =	vld.idx.msk [tilespmem:v8+s29+$0x0], $0xffff  }
0x14e: {  	v10 =	vld.idx.msk [tilespmem:v8+s13+$0x0], $0xffff  }
0x14f: {  	v11 =	vld.idx.msk [tilespmem:v8+s30+$0x0], $0xffff  }
0x150: {  	v12 =	vld.idx.msk [tilespmem:v8+s23+$0x0], $0xffff;
	_ =	sdelay $0x1  }
0x151: {  	v8 =	vmov s9  }
0x152: {  	v8 =	vand.u32 $0x3F, v8  }
0x153: {  	v8 =	vbroadcast v8, $0x0  }
0x154: {  	v9 =	vadd.f32 v11, v9  }
0x155: {  	v11 =	vor.u32 v0, v8;
	v10 =	vadd.f32 v10, v12;
	_ =	sdelay $0x1  }
0x156: {  	v9 =	vadd.f32 v10, v9;
	_ =	sdelay $0x1  }
0x157: {  	[tilespmem:s22+$0x30] =	vst v9;
	s22 =	smov.u32 s2  }
0x158: {  	v9 =	vld.idx.msk [tilespmem:v11+s13+$0x0], $0xffff  }
0x159: {  	v10 =	vld.idx.msk [tilespmem:v11+s29+$0x0], $0xffff  }
0x15a: {  	v12 =	vld.idx.msk [tilespmem:v11+s23+$0x0], $0xffff  }
0x15b: {  	v11 =	vld.idx.msk [tilespmem:v11+s30+$0x0], $0xffff;
	_ =	sdelay $0x4  }
0x15c: {  	v9 =	vadd.f32 v9, v12  }
0x15d: {  	v10 =	vadd.f32 v11, v10;
	v11 =	vor.u32 v1, v8;
	_ =	sdelay $0x1  }
0x15e: {  	v9 =	vadd.f32 v9, v10;
	_ =	sdelay $0x1  }
0x15f: {  	[tilespmem:s2+$0xFFFFFFC0] =	vst v9  }
0x160: {  	v9 =	vld.idx.msk [tilespmem:v11+s23+$0x0], $0xffff  }
0x161: {  	v10 =	vld.idx.msk [tilespmem:v11+s30+$0x0], $0xffff  }
0x162: {  	v12 =	vld.idx.msk [tilespmem:v11+s29+$0x0], $0xffff  }
0x163: {  	v11 =	vld.idx.msk [tilespmem:v11+s13+$0x0], $0xffff;
	_ =	sdelay $0x4  }
0x164: {  	v10 =	vadd.f32 v10, v12  }
0x165: {  	v9 =	vadd.f32 v11, v9;
	v11 =	vor.u32 v2, v8;
	_ =	sdelay $0x1  }
0x166: {  	v9 =	vadd.f32 v9, v10;
	_ =	sdelay $0x1  }
0x167: {  	[tilespmem:s2+$0xFFFFFFD0] =	vst v9  }
0x168: {  	v9 =	vld.idx.msk [tilespmem:v11+s13+$0x0], $0xffff  }
0x169: {  	v10 =	vld.idx.msk [tilespmem:v11+s30+$0x0], $0xffff  }
0x16a: {  	v12 =	vld.idx.msk [tilespmem:v11+s29+$0x0], $0xffff  }
0x16b: {  	v11 =	vld.idx.msk [tilespmem:v11+s23+$0x0], $0xffff;
	_ =	sdelay $0x4  }
0x16c: {  	v10 =	vadd.f32 v10, v12  }
0x16d: {  	v9 =	vadd.f32 v9, v11;
	v11 =	vor.u32 v3, v8;
	_ =	sdelay $0x1  }
0x16e: {  	v9 =	vadd.f32 v9, v10;
	_ =	sdelay $0x1  }
0x16f: {  	[tilespmem:s2+$0xFFFFFFE0] =	vst v9  }
0x170: {  	v9 =	vld.idx.msk [tilespmem:v11+s13+$0x0], $0xffff  }
0x171: {  	v10 =	vld.idx.msk [tilespmem:v11+s29+$0x0], $0xffff  }
0x172: {  	v12 =	vld.idx.msk [tilespmem:v11+s30+$0x0], $0xffff  }
0x173: {  	v11 =	vld.idx.msk [tilespmem:v11+s23+$0x0], $0xffff;
	_ =	sdelay $0x4  }
0x174: {  	v10 =	vadd.f32 v12, v10  }
0x175: {  	v9 =	vadd.f32 v9, v11;
	v11 =	vor.u32 v4, v8;
	_ =	sdelay $0x1  }
0x176: {  	v9 =	vadd.f32 v9, v10;
	_ =	sdelay $0x1  }
0x177: {  	[tilespmem:s2+$0xFFFFFFF0] =	vst v9  }
0x178: {  	v9 =	vld.idx.msk [tilespmem:v11+s30+$0x0], $0xffff  }
0x179: {  	v10 =	vld.idx.msk [tilespmem:v11+s13+$0x0], $0xffff  }
0x17a: {  	v12 =	vld.idx.msk [tilespmem:v11+s23+$0x0], $0xffff  }
0x17b: {  	v11 =	vld.idx.msk [tilespmem:v11+s29+$0x0], $0xffff;
	_ =	sdelay $0x4  }
0x17c: {  	v10 =	vadd.f32 v10, v12  }
0x17d: {  	v9 =	vadd.f32 v9, v11;
	v11 =	vor.u32 v5, v8;
	_ =	sdelay $0x1  }
0x17e: {  	v9 =	vadd.f32 v10, v9;
	_ =	sdelay $0x1  }
0x17f: {  	[tilespmem:s2+$0x0] =	vst v9  }
0x180: {  	v9 =	vld.idx.msk [tilespmem:v11+s29+$0x0], $0xffff  }
0x181: {  	v10 =	vld.idx.msk [tilespmem:v11+s23+$0x0], $0xffff  }
0x182: {  	v12 =	vld.idx.msk [tilespmem:v11+s30+$0x0], $0xffff  }
0x183: {  	v11 =	vld.idx.msk [tilespmem:v11+s13+$0x0], $0xffff;
	_ =	sdelay $0x4  }
0x184: {  	v9 =	vadd.f32 v12, v9  }
0x185: {  	v11 =	vadd.f32 v11, v10;
	v10 =	vor.u32 v6, v8;
	_ =	sdelay $0x1  }
0x186: {  	v9 =	vadd.f32 v11, v9  }
.Ltmp3:
0x187: {  	(pc) =	sbr.rel @p0 .LBB2_8-.Ltmp3, $4  }
0x188: {  	[tilespmem:s2+$0x10] =	vst v9  }
0x189: {  	v9 =	vld.idx.msk [tilespmem:v10+s13+$0x0], $0xffff  }
0x18a: {  	v11 =	vld.idx.msk [tilespmem:v10+s30+$0x0], $0xffff  }
0x18b: {  	v12 =	vld.idx.msk [tilespmem:v10+s29+$0x0], $0xffff  }
0x18c: {  	_ =	sdelay $0x3  }
0x18d: {  	v10 =	vld.idx.msk [tilespmem:v10+s23+$0x0], $0xffff;
	_ =	sdelay $0x4  }
0x18e: {  	v8 =	vor.u32 v7, v8;
	v11 =	vadd.f32 v11, v12;
	v9 =	vadd.f32 v9, v10;
	_ =	sdelay $0x1  }
0x18f: {  	v9 =	vadd.f32 v9, v11;
	_ =	sdelay $0x1  }
0x190: {  	[tilespmem:s22+$0x20] =	vst v9  }
0x191: {  	v9 =	vld.idx.msk [tilespmem:v8+s29+$0x0], $0xffff  }
0x192: {  	v62 =	vld.idx.msk [tilespmem:v8+s13+$0x0], $0xffff  }
0x193: {  	v63 =	vld.idx.msk [tilespmem:v8+s30+$0x0], $0xffff  }
0x194: {  	v8 =	vld.idx.msk [tilespmem:v8+s23+$0x0], $0xffff;
	_ =	sdelay $0x1  }
0x195: {  	s2 =	sadd.s32 s20, s12  }
0x196: {  	s2 =	sadd.s32 $0x1, s2  }
0x197: {  	s19 =	sadd.s32 $0x1, s19;
	s8 =	sshrl.u32 s2, $0x7  }
0x198: {  	p0 =	sne.s32 s19, $0x64;
	s2 =	sshll.u32 s2, $0xA;
	s9 =	sshll.u32 s8, $0x11;
	v9 =	vadd.f32 v63, v9;
	v8 =	vadd.f32 v62, v8  }
.Ltmp4:
0x199: {  	s8 =	sshll.u32 s8, $0x14;
	s2 =	ssub.s32 s2, s9;
	(pc) =	sbr.rel @p0 .LBB2_2-.Ltmp4, $4  }
0x19a: {  	s2 =	sadd.s32 s8, s2;
	v8 =	vadd.f32 v8, v9  }
0x19b: {  	s2 =	sshrl.u32 s2, $0x3  }
0x19c: {  	s2 =	sadd.s32 s1, s2;
	[tilespmem:s22+$0x30] =	vst v8  }
0x19d: {  	[hbm4b:s2+s14] =	stream.strided.scatter [tilespmem:s18], [sflag:$0x5], $0x2000, s15, s14, $0x38;
	[tilespmem:$0x19000] =	vst v63  }
0x19e: {  	s2 =	simm.s32 $0x4  }
0x19f: {  	_ =	swait.ge [sflag:s2], $0x2000  }
0x1a0: {  	[sflag:s2] =	ssyncset.done $0x0  }
0x1a1: {  	s8 =	simm.s32 $0x5;
	[sflag:s2] =	ssyncadd.s32 $0xFFFFE000  }
0x1a2: {  	_ =	swait.ge [sflag:s8], $0x2000  }
0x1a3: {  	s9 =	rddreg [dreg:$0xe]  }
0x1a4: {  	s22 =	rddreg [dreg:$0xd];
	s9 =	sadd.s32 $0x1, s9  }
0x1a5: {  	p0 =	sne.s32 s9, s22  }
.Ltmp5:
0x1a6: {  	_ = 	snop;
	(pc) =	sbr.rel @p0 .LBB2_1-.Ltmp5, $3  }
0x1a7: {  	_ =	sdelay $0x1  }
0x1a8: {  	[sflag:s8] =	ssyncset.done $0x0  }
0x1a9: {  	[sflag:s8] =	ssyncadd.s32 $0xFFFFE000  }
0x1aa: {  	_ =	sfence.sel $0x180000  }
0x1ab: {  	[bflag:$0x0] =	sbarrier.arrive $0xFFFF  }
0x1ac: {  	_ =	strace $0x90000047  }
0x1ad: {  	s0 =	stileid.u32;
	[bflag:$0x2] =	sbarrier.arrive $0xFFFF  }
0x1ae: {  	p0 =	sne.s32 s0, $0x0;
	s0 =	rddreg [dreg:$0x2]  }
0x1af: {  	s0 =	sadd.s32 @!p0 $0x100000, s0  }
0x1b0: {  	[sflag:s0] =	ssyncadd.tile.s32 @!p0 $0x1;
	_ =	shalt  }
.Lfunc_end2:
_tile_overlayer_lowered:
.L_overlay_start_2:
0x1b1: {  	(tag) =	ssettag $0x2  }
0x1b2: {  	s0 =	rddreg [dreg:$0x0];
	s2 =	stileid.u32  }
0x1b3: {  	s1 =	rddreg [dreg:$0x1];
	p0 =	sne.s32 s2, $0x0  }
0x1b4: {  	s3 =	rddreg [dreg:$0x2];
	[bflag:$0x3] =	sbarrier.arrive $0xFFFF;
	s2 =	simm.s32 @!p0 $0x1C06  }
0x1b5: {  	[timem:s3], [sflag:s2] =	dma.local @!p0 [hbm:s0], s1  }
0x1b6: {  	s0 =	simm.s32 @!p0 $0x6  }
0x1b7: {  	_ =	swait.ge @!p0 [sflag:s0], s1  }
0x1b8: {  	s1 =	ssub.s32 @!p0 $0x0, s1;
	[sflag:s0] =	ssyncset.done @!p0 $0x0  }
0x1b9: {  	[sflag:s0] =	ssyncadd.s32 @!p0 s1  }
0x1ba: {  	[bflag:$0x3] =	sbarrier.arrive $0xFFFF  }
0x1bb: {  	_ =	shalt  }

</sc_bundles>
